<compile_context>
chip_gen: v7x
topology: tpu7x:2x2x1
jax: 0.10.2.dev20260603
libtpu: 0.0.44.dev20260713+nightly
codegen_flags: <defaults>
</compile_context>

<pallas_src>
import functools

import jax
import jax.numpy as jnp
from jax import lax
from jax.experimental import pallas as pl
from jax.experimental.pallas import tpu as pltpu
from jax.experimental.pallas import tpu_sc as plsc

N = 10000
D = 128
E = 320000
NC = 2
NS = 16
NW = NC * NS
EPW = E // NW
B = 80
NB = EPW // B

_mesh = plsc.VectorSubcoreMesh(core_axis_name="c", subcore_axis_name="s")


@functools.partial(
    pl.kernel,
    out_type=jax.ShapeDtypeStruct((NC * N,), jnp.float32),
    mesh=_mesh,
    scratch_types=[
        pltpu.VMEM((NB, B), jnp.int32),
        pltpu.VMEM((NB, B), jnp.float32),
        pltpu.VMEM((1000,), jnp.float32),
        pltpu.VMEM_SHARED((N,), jnp.float32),
    ],
    compiler_params=pltpu.CompilerParams(needs_layout_passes=False),
)
def _sc_deg(dst_hbm, w_hbm, zeros_hbm, out_hbm, dst_v, w_v, bounce_v, deg_sh):
    c = lax.axis_index("c")
    s = lax.axis_index("s")
    wid = s * NC + c

    @pl.when(s < 10)
    def _():
        sl = pl.ds(s * 1000, 1000)
        pltpu.sync_copy(zeros_hbm.at[sl], bounce_v)
        pltpu.sync_copy(bounce_v, deg_sh.at[sl])

    pltpu.sync_copy(dst_hbm.at[wid], dst_v)
    pltpu.sync_copy(w_hbm.at[wid], w_v)
    plsc.subcore_barrier()

    def body(i, carry):
        pltpu.sync_copy(w_v.at[i], deg_sh.at[dst_v.at[i]], add=True)
        return carry

    lax.fori_loop(0, NB, body, 0)
    plsc.subcore_barrier()

    @pl.when(s < 10)
    def _():
        pltpu.sync_copy(deg_sh.at[pl.ds(s * 1000, 1000)], bounce_v)
        pltpu.sync_copy(bounce_v, out_hbm.at[pl.ds(c * N + s * 1000, 1000)])


CB = 25
NCH = NB // CB
EPC = CB * B


@functools.partial(
    pl.kernel,
    out_type=jax.ShapeDtypeStruct((NC, N, D), jnp.float32),
    mesh=_mesh,
    scratch_types=[
        pltpu.VMEM((CB, B), jnp.int32),
        pltpu.VMEM((CB, B), jnp.int32),
        pltpu.VMEM((EPC,), jnp.float32),
        pltpu.VMEM((B, D), jnp.float32),
        pltpu.VMEM((40, D), jnp.float32),
        pltpu.VMEM_SHARED((N, D), jnp.float32),
    ],
    compiler_params=pltpu.CompilerParams(needs_layout_passes=False),
)
def _sc_agg(hp_hbm, src_hbm, dst_hbm, wflat_hbm, zeros_hbm, out_hbm,
            src_v, dst_v, w_v, rows_v, bounce_v, acc_sh):
    c = lax.axis_index("c")
    s = lax.axis_index("s")
    wid = s * NC + c
    r0 = s * 1000

    @pl.when(s < 10)
    def _():
        def initk(k, carry):
            sl = pl.ds(r0 + k * 40, 40)

            @pl.when(c == 0)
            def _():
                pltpu.sync_copy(hp_hbm.at[sl], bounce_v)

            @pl.when(c != 0)
            def _():
                pltpu.sync_copy(zeros_hbm.at[sl], bounce_v)

            pltpu.sync_copy(bounce_v, acc_sh.at[sl])
            return carry

        lax.fori_loop(0, 25, initk, 0)

    plsc.subcore_barrier()

    def chunk_body(k, carry):
        row = wid * NCH + k
        pltpu.sync_copy(src_hbm.at[row], src_v)
        pltpu.sync_copy(dst_hbm.at[row], dst_v)
        pltpu.sync_copy(wflat_hbm.at[row], w_v)

        def body(j, carry2):
            pltpu.sync_copy(hp_hbm.at[src_v.at[j]], rows_v)

            def scale(e, c2):
                w16 = plsc.load_gather(
                    w_v, [jnp.full((16,), j * B + e, jnp.int32)]
                )
                for d in range(D // 16):
                    sl = pl.ds(d * 16, 16)
                    rows_v[e, sl] = rows_v[e, sl] * w16
                return c2

            lax.fori_loop(0, B, scale, 0)
            pltpu.sync_copy(rows_v, acc_sh.at[dst_v.at[j]], add=True)
            return carry2

        lax.fori_loop(0, CB, body, 0)
        return carry

    lax.fori_loop(0, NCH, chunk_body, 0)
    plsc.subcore_barrier()

    @pl.when(s < 10)
    def _():
        def outk(k, carry):
            sl = pl.ds(r0 + k * 40, 40)
            pltpu.sync_copy(acc_sh.at[sl], bounce_v)
            pltpu.sync_copy(bounce_v, out_hbm.at[c, sl])
            return carry

        lax.fori_loop(0, 25, outk, 0)


_BN = 1000


def _tc_lin_first(x, W, deg3):
    def body(x_ref, w_ref, deg_ref, hp_ref, dinv_ref):
        d = deg_ref[0] + deg_ref[1] + 1.0
        dinv = jnp.where(d > 0, lax.rsqrt(jnp.maximum(d, 1e-12)), 0.0)
        dinv_ref[...] = dinv
        h = jnp.dot(x_ref[...], w_ref[...], preferred_element_type=jnp.float32)
        hp_ref[...] = h * dinv

    return pl.pallas_call(
        body,
        grid=(N // _BN,),
        in_specs=[
            pl.BlockSpec((_BN, D), lambda i: (i, 0)),
            pl.BlockSpec((D, D), lambda i: (0, 0)),
            pl.BlockSpec((2, _BN, 1), lambda i: (0, i, 0)),
        ],
        out_specs=[
            pl.BlockSpec((_BN, D), lambda i: (i, 0)),
            pl.BlockSpec((_BN, 1), lambda i: (i, 0)),
        ],
        out_shape=[
            jax.ShapeDtypeStruct((N, D), jnp.float32),
            jax.ShapeDtypeStruct((N, 1), jnp.float32),
        ],
    )(x, W, deg3)


def _tc_mid(P, dinv, b, W):
    def body(p_ref, dinv_ref, b_ref, w_ref, out_ref):
        z = jax.nn.relu(dinv_ref[...] * (p_ref[0] + p_ref[1]) + b_ref[...])
        out_ref[...] = (
            jnp.dot(z, w_ref[...], preferred_element_type=jnp.float32)
            * dinv_ref[...]
        )

    return pl.pallas_call(
        body,
        grid=(N // _BN,),
        in_specs=[
            pl.BlockSpec((2, _BN, D), lambda i: (0, i, 0)),
            pl.BlockSpec((_BN, 1), lambda i: (i, 0)),
            pl.BlockSpec((1, D), lambda i: (0, 0)),
            pl.BlockSpec((D, D), lambda i: (0, 0)),
        ],
        out_specs=pl.BlockSpec((_BN, D), lambda i: (i, 0)),
        out_shape=jax.ShapeDtypeStruct((N, D), jnp.float32),
    )(P, dinv, b, W)


def _tc_final(P, dinv, b):
    def body(p_ref, dinv_ref, b_ref, out_ref):
        out_ref[...] = jax.nn.relu(
            dinv_ref[...] * (p_ref[0] + p_ref[1]) + b_ref[...]
        )

    return pl.pallas_call(
        body,
        grid=(N // _BN,),
        in_specs=[
            pl.BlockSpec((2, _BN, D), lambda i: (0, i, 0)),
            pl.BlockSpec((_BN, 1), lambda i: (i, 0)),
            pl.BlockSpec((1, D), lambda i: (0, 0)),
        ],
        out_specs=pl.BlockSpec((_BN, D), lambda i: (i, 0)),
        out_shape=jax.ShapeDtypeStruct((N, D), jnp.float32),
    )(P, dinv, b)


@jax.jit
def kernel(x, edge_index, edge_attr, W1, b1, W2, b2):
    dst2 = edge_index[1].reshape(NW, NB, B)
    w2 = edge_attr.reshape(NW, NB, B)
    src3 = edge_index[0].reshape(NW * NCH, CB, B)
    dst3 = edge_index[1].reshape(NW * NCH, CB, B)
    wf = edge_attr.reshape(NW * NCH, EPC)
    zeros1 = jnp.zeros((N,), jnp.float32)
    zeros2 = jnp.zeros((N, D), jnp.float32)

    deg2 = _sc_deg(dst2, w2, zeros1)
    hp1, dinv = _tc_lin_first(x, W1, deg2.reshape(NC, N, 1))
    P1 = _sc_agg(hp1, src3, dst3, wf, zeros2)
    hp2 = _tc_mid(P1, dinv, b1.reshape(1, D), W2)
    P2 = _sc_agg(hp2, src3, dst3, wf, zeros2)
    return _tc_final(P2, dinv, b2.reshape(1, D))

# --- scband reference (transcript-rebuilt; emitter-appended) ---
"""Pipeline reference for scband-graph-convolution-network-80693845557544 (READ-ONLY COPY).

The authoritative reference and input builder live on the scoring server;
editing this copy changes nothing except your own understanding.
"""

import jax, jax.numpy as jnp
import numpy as np

N = 10000
E = 320000
D_IN = 128
D_HID = 128
D_OUT = 128


def _gcn_conv(x, src, dst, edge_weight, W, b, num_nodes):
    # Linear transform first (GCNConv applies lin before propagate)
    h = x @ W
    # Add self-loops with weight 1.0 (GCNConv default: add_self_loops=True, fill_value=1)
    loop_idx = jnp.arange(num_nodes, dtype=src.dtype)
    src_full = jnp.concatenate([src, loop_idx])
    dst_full = jnp.concatenate([dst, loop_idx])
    w_full = jnp.concatenate([edge_weight, jnp.ones((num_nodes,), dtype=edge_weight.dtype)])
    # Symmetric normalization: D^{-1/2} A D^{-1/2}
    deg = jax.ops.segment_sum(w_full, dst_full, num_segments=num_nodes)
    deg_inv_sqrt = jnp.where(deg > 0, jax.lax.rsqrt(jnp.maximum(deg, 1e-12)), 0.0)
    norm = deg_inv_sqrt[src_full] * w_full * deg_inv_sqrt[dst_full]
    # Message passing: gather source features, weight, scatter-add to destination
    msgs = norm[:, None] * h[src_full]
    out = jax.ops.segment_sum(msgs, dst_full, num_segments=num_nodes)
    return out + b


def setup_inputs(seed: int = 0) -> dict:
    key = jax.random.key(seed)
    ks = jax.random.split(key, 8)
    x = jax.random.normal(ks[0], (N, D_IN), dtype=jnp.float32)
    edge_index = jax.random.randint(ks[1], (2, E), 0, N, dtype=jnp.int32)
    edge_attr = jax.random.uniform(ks[2], (E,), dtype=jnp.float32)
    W1 = jax.random.normal(ks[3], (D_IN, D_HID), dtype=jnp.float32) * (1.0 / np.sqrt(D_IN))
    b1 = jnp.zeros((D_HID,), dtype=jnp.float32)
    W2 = jax.random.normal(ks[4], (D_HID, D_OUT), dtype=jnp.float32) * (1.0 / np.sqrt(D_HID))
    b2 = jnp.zeros((D_OUT,), dtype=jnp.float32)
    return {"x": x, "edge_index": edge_index, "edge_attr": edge_attr,
            "W1": W1, "b1": b1, "W2": W2, "b2": b2}


def reference(x, edge_index, edge_attr, W1, b1, W2, b2):
    src = edge_index[0]
    dst = edge_index[1]
    h1 = jax.nn.relu(_gcn_conv(x, src, dst, edge_attr, W1, b1, N))
    h2 = jax.nn.relu(_gcn_conv(h1, src, dst, edge_attr, W2, b2, N))
    return h2

if __name__ == "__main__":
    import jax
    _d = setup_inputs()
    print(jax.jit(kernel)(*tuple(_d.values())))

</pallas_src>

<mosaic_0001>
#map = affine_map<(d0, d1) -> (0, 0)>
#map1 = affine_map<(d0, d1) -> (0, 0, 0)>
module attributes {stable_mosaic.version = 14 : i64} {
  func.func @_sc_agg(%arg0: i32, %arg1: i32, %arg2: memref<10000x128xf32, #tpu.memory_space<hbm>>, %arg3: memref<160x25x80xi32, #tpu.memory_space<hbm>>, %arg4: memref<160x25x80xi32, #tpu.memory_space<hbm>>, %arg5: memref<160x2000xf32, #tpu.memory_space<hbm>>, %arg6: memref<10000x128xf32, #tpu.memory_space<hbm>>, %arg7: memref<2x10000x128xf32, #tpu.memory_space<hbm>>, %arg8: memref<25x80xi32, #tpu.memory_space<vmem>>, %arg9: memref<25x80xi32, #tpu.memory_space<vmem>>, %arg10: memref<2000xf32, #tpu.memory_space<vmem>>, %arg11: memref<80x128xf32, #tpu.memory_space<vmem>>, %arg12: memref<40x128xf32, #tpu.memory_space<vmem>>, %arg13: memref<10000x128xf32, #tpu.memory_space<vmem_shared>>) attributes {dimension_semantics = [#tpu.dimension_semantics<core_parallel>, #tpu.dimension_semantics<subcore_parallel>], iteration_bounds = array<i64: 2, 16>, scalar_prefetch = 0 : i64, scratch_operands = 6 : i64, tpu.core_type = #tpu.core_type<sc_vector_subcore>, window_params = [{transform_indices = #map}, {transform_indices = #map1}, {transform_indices = #map1}, {transform_indices = #map}, {transform_indices = #map}, {transform_indices = #map1}]} {
    %mul3A = arith.constant 2 : i32
    %mul3A_0 = arith.muli %arg1, %mul3A : i32
    %add3A = arith.addi %mul3A_0, %arg0 : i32
    %mul3A_1 = arith.constant 1000 : i32
    %mul3A_2 = arith.muli %arg1, %mul3A_1 : i32
    %lt3A = arith.constant 10 : i32
    %lt3A_3 = arith.cmpi slt, %arg1, %lt3A : i32
    %convert_element_type3A = arith.extui %lt3A_3 : i1 to i32
    %cond3A = arith.constant 0 : i32
    %cond3A_4 = arith.cmpi ne, %convert_element_type3A, %cond3A : i32
    scf.if %cond3A_4 {
      %scan3A_16 = arith.constant 0 : i32
      %scan3A_17 = arith.constant 0 : i32
      %scan3A_18 = arith.constant 25 : i32
      %scan3A_19 = arith.addi %scan3A_17, %scan3A_18 : i32
      %scan3A_20 = arith.constant 1 : i32
      scf.for %scan3A_22 = %scan3A_17 to %scan3A_19 step %scan3A_20  : i32 {
        %mul3A_23 = arith.constant 40 : i32
        %mul3A_24 = arith.muli %scan3A_22, %mul3A_23 : i32
        %add3A_25 = arith.addi %mul3A_2, %mul3A_24 : i32
        %eq3A = arith.constant 0 : i32
        %eq3A_26 = arith.cmpi eq, %arg0, %eq3A : i32
        %convert_element_type3A_27 = arith.extui %eq3A_26 : i1 to i32
        %cond3A_28 = arith.constant 0 : i32
        %cond3A_29 = arith.cmpi ne, %convert_element_type3A_27, %cond3A_28 : i32
        scf.if %cond3A_29 {
          "tpu.region"() ({
            %run_scoped3A = tpu.sem_alloc : memref<!tpu.dma_semaphore, #tpu.memory_space<semaphore_mem>>
            %dma_start3A = arith.constant 0 : i32
            %dma_start3A_34 = tpu.memref_slice %arg2[%add3A_25, %dma_start3A] : memref<10000x128xf32, #tpu.memory_space<hbm>> -> memref<40x128xf32, #tpu.memory_space<hbm>>
            %dma_start3A_35 = arith.constant 0 : i32
            %dma_start3A_36 = tpu.memref_slice %arg2[%add3A_25, %dma_start3A_35] : memref<10000x128xf32, #tpu.memory_space<hbm>> -> memref<40x128xf32, #tpu.memory_space<hbm>>
            tpu.enqueue_dma source(%dma_start3A_36 : memref<40x128xf32, #tpu.memory_space<hbm>>) target(%arg12 : memref<40x128xf32, #tpu.memory_space<vmem>>) target_semaphore(%run_scoped3A : memref<!tpu.dma_semaphore, #tpu.memory_space<semaphore_mem>>)
            %dma_wait3A = arith.constant 0 : i32
            %dma_wait3A_37 = tpu.memref_slice %arg2[%add3A_25, %dma_wait3A] : memref<10000x128xf32, #tpu.memory_space<hbm>> -> memref<40x128xf32, #tpu.memory_space<hbm>>
            %dma_wait3A_38 = arith.constant 0 : i32
            %dma_wait3A_39 = tpu.memref_slice %arg2[%add3A_25, %dma_wait3A_38] : memref<10000x128xf32, #tpu.memory_space<hbm>> -> memref<40x128xf32, #tpu.memory_space<hbm>>
            tpu.wait_dma2 semaphore(%run_scoped3A : memref<!tpu.dma_semaphore, #tpu.memory_space<semaphore_mem>>) src(%dma_wait3A_39 : memref<40x128xf32, #tpu.memory_space<hbm>>) dst(%arg12 : memref<40x128xf32, #tpu.memory_space<vmem>>)
            tpu.yield
          }) : () -> ()
        } else {
        }
        %ne3A = arith.constant 0 : i32
        %ne3A_30 = arith.cmpi ne, %arg0, %ne3A : i32
        %convert_element_type3A_31 = arith.extui %ne3A_30 : i1 to i32
        %cond3A_32 = arith.constant 0 : i32
        %cond3A_33 = arith.cmpi ne, %convert_element_type3A_31, %cond3A_32 : i32
        scf.if %cond3A_33 {
          "tpu.region"() ({
            %run_scoped3A = tpu.sem_alloc : memref<!tpu.dma_semaphore, #tpu.memory_space<semaphore_mem>>
            %dma_start3A = arith.constant 0 : i32
            %dma_start3A_34 = tpu.memref_slice %arg6[%add3A_25, %dma_start3A] : memref<10000x128xf32, #tpu.memory_space<hbm>> -> memref<40x128xf32, #tpu.memory_space<hbm>>
            %dma_start3A_35 = arith.constant 0 : i32
            %dma_start3A_36 = tpu.memref_slice %arg6[%add3A_25, %dma_start3A_35] : memref<10000x128xf32, #tpu.memory_space<hbm>> -> memref<40x128xf32, #tpu.memory_space<hbm>>
            tpu.enqueue_dma source(%dma_start3A_36 : memref<40x128xf32, #tpu.memory_space<hbm>>) target(%arg12 : memref<40x128xf32, #tpu.memory_space<vmem>>) target_semaphore(%run_scoped3A : memref<!tpu.dma_semaphore, #tpu.memory_space<semaphore_mem>>)
            %dma_wait3A = arith.constant 0 : i32
            %dma_wait3A_37 = tpu.memref_slice %arg6[%add3A_25, %dma_wait3A] : memref<10000x128xf32, #tpu.memory_space<hbm>> -> memref<40x128xf32, #tpu.memory_space<hbm>>
            %dma_wait3A_38 = arith.constant 0 : i32
            %dma_wait3A_39 = tpu.memref_slice %arg6[%add3A_25, %dma_wait3A_38] : memref<10000x128xf32, #tpu.memory_space<hbm>> -> memref<40x128xf32, #tpu.memory_space<hbm>>
            tpu.wait_dma2 semaphore(%run_scoped3A : memref<!tpu.dma_semaphore, #tpu.memory_space<semaphore_mem>>) src(%dma_wait3A_39 : memref<40x128xf32, #tpu.memory_space<hbm>>) dst(%arg12 : memref<40x128xf32, #tpu.memory_space<vmem>>)
            tpu.yield
          }) : () -> ()
        } else {
        }
        "tpu.region"() ({
          %run_scoped3A = tpu.sem_alloc : memref<!tpu.dma_semaphore, #tpu.memory_space<semaphore_mem>>
          %dma_start3A = arith.constant 0 : i32
          %dma_start3A_34 = tpu.memref_slice %arg13[%add3A_25, %dma_start3A] : memref<10000x128xf32, #tpu.memory_space<vmem_shared>> -> memref<40x128xf32, #tpu.memory_space<vmem_shared>>
          %dma_start3A_35 = arith.constant 0 : i32
          %dma_start3A_36 = tpu.memref_slice %arg13[%add3A_25, %dma_start3A_35] : memref<10000x128xf32, #tpu.memory_space<vmem_shared>> -> memref<40x128xf32, #tpu.memory_space<vmem_shared>>
          tpu.enqueue_dma source(%arg12 : memref<40x128xf32, #tpu.memory_space<vmem>>) target(%dma_start3A_36 : memref<40x128xf32, #tpu.memory_space<vmem_shared>>) target_semaphore(%run_scoped3A : memref<!tpu.dma_semaphore, #tpu.memory_space<semaphore_mem>>)
          %dma_wait3A = arith.constant 0 : i32
          %dma_wait3A_37 = tpu.memref_slice %arg13[%add3A_25, %dma_wait3A] : memref<10000x128xf32, #tpu.memory_space<vmem_shared>> -> memref<40x128xf32, #tpu.memory_space<vmem_shared>>
          %dma_wait3A_38 = arith.constant 0 : i32
          %dma_wait3A_39 = tpu.memref_slice %arg13[%add3A_25, %dma_wait3A_38] : memref<10000x128xf32, #tpu.memory_space<vmem_shared>> -> memref<40x128xf32, #tpu.memory_space<vmem_shared>>
          tpu.wait_dma2 semaphore(%run_scoped3A : memref<!tpu.dma_semaphore, #tpu.memory_space<semaphore_mem>>) src(%arg12 : memref<40x128xf32, #tpu.memory_space<vmem>>) dst(%dma_wait3A_39 : memref<40x128xf32, #tpu.memory_space<vmem_shared>>)
          tpu.yield
        }) : () -> ()
      }
      %scan3A_21 = arith.constant 25 : i32
    } else {
    }
    %barrier3A = arith.constant 0 : index
    tpu.barrier barrier_id(%barrier3A)
    %scan3A = arith.constant 0 : i32
    %scan3A_5 = arith.constant 0 : i32
    %scan3A_6 = arith.constant 5 : i32
    %scan3A_7 = arith.addi %scan3A_5, %scan3A_6 : i32
    %scan3A_8 = arith.constant 1 : i32
    scf.for %scan3A_16 = %scan3A_5 to %scan3A_7 step %scan3A_8  : i32 {
      %mul3A_17 = arith.constant 5 : i32
      %mul3A_18 = arith.muli %add3A, %mul3A_17 : i32
      %add3A_19 = arith.addi %mul3A_18, %scan3A_16 : i32
      "tpu.region"() ({
        %run_scoped3A = tpu.sem_alloc : memref<!tpu.dma_semaphore, #tpu.memory_space<semaphore_mem>>
        %dma_start3A = arith.constant 0 : i32
        %dma_start3A_26 = arith.constant 0 : i32
        %dma_start3A_27 = tpu.memref_slice %arg3[%add3A_19, %dma_start3A, %dma_start3A_26] : memref<160x25x80xi32, #tpu.memory_space<hbm>> -> memref<1x25x80xi32, #tpu.memory_space<hbm>>
        %dma_start3A_28 = tpu.memref_squeeze %dma_start3A_27 : memref<1x25x80xi32, #tpu.memory_space<hbm>> -> memref<25x80xi32, #tpu.memory_space<hbm>>
        %dma_start3A_29 = arith.constant 0 : i32
        %dma_start3A_30 = arith.constant 0 : i32
        %dma_start3A_31 = tpu.memref_slice %arg3[%add3A_19, %dma_start3A_29, %dma_start3A_30] : memref<160x25x80xi32, #tpu.memory_space<hbm>> -> memref<1x25x80xi32, #tpu.memory_space<hbm>>
        %dma_start3A_32 = tpu.memref_squeeze %dma_start3A_31 : memref<1x25x80xi32, #tpu.memory_space<hbm>> -> memref<25x80xi32, #tpu.memory_space<hbm>>
        tpu.enqueue_dma source(%dma_start3A_32 : memref<25x80xi32, #tpu.memory_space<hbm>>) target(%arg8 : memref<25x80xi32, #tpu.memory_space<vmem>>) target_semaphore(%run_scoped3A : memref<!tpu.dma_semaphore, #tpu.memory_space<semaphore_mem>>)
        %dma_wait3A = arith.constant 0 : i32
        %dma_wait3A_33 = arith.constant 0 : i32
        %dma_wait3A_34 = tpu.memref_slice %arg3[%add3A_19, %dma_wait3A, %dma_wait3A_33] : memref<160x25x80xi32, #tpu.memory_space<hbm>> -> memref<1x25x80xi32, #tpu.memory_space<hbm>>
        %dma_wait3A_35 = tpu.memref_squeeze %dma_wait3A_34 : memref<1x25x80xi32, #tpu.memory_space<hbm>> -> memref<25x80xi32, #tpu.memory_space<hbm>>
        %dma_wait3A_36 = arith.constant 0 : i32
        %dma_wait3A_37 = arith.constant 0 : i32
        %dma_wait3A_38 = tpu.memref_slice %arg3[%add3A_19, %dma_wait3A_36, %dma_wait3A_37] : memref<160x25x80xi32, #tpu.memory_space<hbm>> -> memref<1x25x80xi32, #tpu.memory_space<hbm>>
        %dma_wait3A_39 = tpu.memref_squeeze %dma_wait3A_38 : memref<1x25x80xi32, #tpu.memory_space<hbm>> -> memref<25x80xi32, #tpu.memory_space<hbm>>
        tpu.wait_dma2 semaphore(%run_scoped3A : memref<!tpu.dma_semaphore, #tpu.memory_space<semaphore_mem>>) src(%dma_wait3A_39 : memref<25x80xi32, #tpu.memory_space<hbm>>) dst(%arg8 : memref<25x80xi32, #tpu.memory_space<vmem>>)
        tpu.yield
      }) : () -> ()
      "tpu.region"() ({
        %run_scoped3A = tpu.sem_alloc : memref<!tpu.dma_semaphore, #tpu.memory_space<semaphore_mem>>
        %dma_start3A = arith.constant 0 : i32
        %dma_start3A_26 = arith.constant 0 : i32
        %dma_start3A_27 = tpu.memref_slice %arg4[%add3A_19, %dma_start3A, %dma_start3A_26] : memref<160x25x80xi32, #tpu.memory_space<hbm>> -> memref<1x25x80xi32, #tpu.memory_space<hbm>>
        %dma_start3A_28 = tpu.memref_squeeze %dma_start3A_27 : memref<1x25x80xi32, #tpu.memory_space<hbm>> -> memref<25x80xi32, #tpu.memory_space<hbm>>
        %dma_start3A_29 = arith.constant 0 : i32
        %dma_start3A_30 = arith.constant 0 : i32
        %dma_start3A_31 = tpu.memref_slice %arg4[%add3A_19, %dma_start3A_29, %dma_start3A_30] : memref<160x25x80xi32, #tpu.memory_space<hbm>> -> memref<1x25x80xi32, #tpu.memory_space<hbm>>
        %dma_start3A_32 = tpu.memref_squeeze %dma_start3A_31 : memref<1x25x80xi32, #tpu.memory_space<hbm>> -> memref<25x80xi32, #tpu.memory_space<hbm>>
        tpu.enqueue_dma source(%dma_start3A_32 : memref<25x80xi32, #tpu.memory_space<hbm>>) target(%arg9 : memref<25x80xi32, #tpu.memory_space<vmem>>) target_semaphore(%run_scoped3A : memref<!tpu.dma_semaphore, #tpu.memory_space<semaphore_mem>>)
        %dma_wait3A = arith.constant 0 : i32
        %dma_wait3A_33 = arith.constant 0 : i32
        %dma_wait3A_34 = tpu.memref_slice %arg4[%add3A_19, %dma_wait3A, %dma_wait3A_33] : memref<160x25x80xi32, #tpu.memory_space<hbm>> -> memref<1x25x80xi32, #tpu.memory_space<hbm>>
        %dma_wait3A_35 = tpu.memref_squeeze %dma_wait3A_34 : memref<1x25x80xi32, #tpu.memory_space<hbm>> -> memref<25x80xi32, #tpu.memory_space<hbm>>
        %dma_wait3A_36 = arith.constant 0 : i32
        %dma_wait3A_37 = arith.constant 0 : i32
        %dma_wait3A_38 = tpu.memref_slice %arg4[%add3A_19, %dma_wait3A_36, %dma_wait3A_37] : memref<160x25x80xi32, #tpu.memory_space<hbm>> -> memref<1x25x80xi32, #tpu.memory_space<hbm>>
        %dma_wait3A_39 = tpu.memref_squeeze %dma_wait3A_38 : memref<1x25x80xi32, #tpu.memory_space<hbm>> -> memref<25x80xi32, #tpu.memory_space<hbm>>
        tpu.wait_dma2 semaphore(%run_scoped3A : memref<!tpu.dma_semaphore, #tpu.memory_space<semaphore_mem>>) src(%dma_wait3A_39 : memref<25x80xi32, #tpu.memory_space<hbm>>) dst(%arg9 : memref<25x80xi32, #tpu.memory_space<vmem>>)
        tpu.yield
      }) : () -> ()
      "tpu.region"() ({
        %run_scoped3A = tpu.sem_alloc : memref<!tpu.dma_semaphore, #tpu.memory_space<semaphore_mem>>
        %dma_start3A = arith.constant 0 : i32
        %dma_start3A_26 = tpu.memref_slice %arg5[%add3A_19, %dma_start3A] : memref<160x2000xf32, #tpu.memory_space<hbm>> -> memref<1x2000xf32, #tpu.memory_space<hbm>>
        %dma_start3A_27 = tpu.memref_squeeze %dma_start3A_26 : memref<1x2000xf32, #tpu.memory_space<hbm>> -> memref<2000xf32, #tpu.memory_space<hbm>>
        %dma_start3A_28 = arith.constant 0 : i32
        %dma_start3A_29 = tpu.memref_slice %arg5[%add3A_19, %dma_start3A_28] : memref<160x2000xf32, #tpu.memory_space<hbm>> -> memref<1x2000xf32, #tpu.memory_space<hbm>>
        %dma_start3A_30 = tpu.memref_squeeze %dma_start3A_29 : memref<1x2000xf32, #tpu.memory_space<hbm>> -> memref<2000xf32, #tpu.memory_space<hbm>>
        tpu.enqueue_dma source(%dma_start3A_30 : memref<2000xf32, #tpu.memory_space<hbm>>) target(%arg10 : memref<2000xf32, #tpu.memory_space<vmem>>) target_semaphore(%run_scoped3A : memref<!tpu.dma_semaphore, #tpu.memory_space<semaphore_mem>>)
        %dma_wait3A = arith.constant 0 : i32
        %dma_wait3A_31 = tpu.memref_slice %arg5[%add3A_19, %dma_wait3A] : memref<160x2000xf32, #tpu.memory_space<hbm>> -> memref<1x2000xf32, #tpu.memory_space<hbm>>
        %dma_wait3A_32 = tpu.memref_squeeze %dma_wait3A_31 : memref<1x2000xf32, #tpu.memory_space<hbm>> -> memref<2000xf32, #tpu.memory_space<hbm>>
        %dma_wait3A_33 = arith.constant 0 : i32
        %dma_wait3A_34 = tpu.memref_slice %arg5[%add3A_19, %dma_wait3A_33] : memref<160x2000xf32, #tpu.memory_space<hbm>> -> memref<1x2000xf32, #tpu.memory_space<hbm>>
        %dma_wait3A_35 = tpu.memref_squeeze %dma_wait3A_34 : memref<1x2000xf32, #tpu.memory_space<hbm>> -> memref<2000xf32, #tpu.memory_space<hbm>>
        tpu.wait_dma2 semaphore(%run_scoped3A : memref<!tpu.dma_semaphore, #tpu.memory_space<semaphore_mem>>) src(%dma_wait3A_35 : memref<2000xf32, #tpu.memory_space<hbm>>) dst(%arg10 : memref<2000xf32, #tpu.memory_space<vmem>>)
        tpu.yield
      }) : () -> ()
      %scan3A_20 = arith.constant 0 : i32
      %scan3A_21 = arith.constant 0 : i32
      %scan3A_22 = arith.constant 25 : i32
      %scan3A_23 = arith.addi %scan3A_21, %scan3A_22 : i32
      %scan3A_24 = arith.constant 1 : i32
      scf.for %scan3A_26 = %scan3A_21 to %scan3A_23 step %scan3A_24  : i32 {
        "tpu.region"() ({
          %run_scoped3A = tpu.sem_alloc : memref<!tpu.dma_semaphore, #tpu.memory_space<semaphore_mem>>
          %dma_start3A = arith.constant 0 : i32
          %dma_start3A_33 = tpu.memref_slice %arg8[%scan3A_26, %dma_start3A] : memref<25x80xi32, #tpu.memory_space<vmem>> -> memref<1x80xi32, #tpu.memory_space<vmem>>
          %dma_start3A_34 = tpu.memref_squeeze %dma_start3A_33 : memref<1x80xi32, #tpu.memory_space<vmem>> -> memref<80xi32, #tpu.memory_space<vmem>>
          %dma_start3A_35 = arith.constant 0 : i32
          %dma_start3A_36 = arith.constant 0 : i32
          %dma_start3A_37 = tpu.memref_slice %arg2[%dma_start3A_35, %dma_start3A_36] : memref<10000x128xf32, #tpu.memory_space<hbm>> -> memref<10000x128xf32, #tpu.memory_space<hbm>>
          tpu.enqueue_indirect_dma source(%dma_start3A_37 : memref<10000x128xf32, #tpu.memory_space<hbm>>) target(%arg11 : memref<80x128xf32, #tpu.memory_space<vmem>>) offsets(%dma_start3A_34 : memref<80xi32, #tpu.memory_space<vmem>>) semaphore(%run_scoped3A : memref<!tpu.dma_semaphore, #tpu.memory_space<semaphore_mem>>)
          %dma_wait3A = arith.constant 0 : i32
          %dma_wait3A_38 = tpu.memref_slice %arg8[%scan3A_26, %dma_wait3A] : memref<25x80xi32, #tpu.memory_space<vmem>> -> memref<1x80xi32, #tpu.memory_space<vmem>>
          %dma_wait3A_39 = tpu.memref_squeeze %dma_wait3A_38 : memref<1x80xi32, #tpu.memory_space<vmem>> -> memref<80xi32, #tpu.memory_space<vmem>>
          %dma_wait3A_40 = arith.constant 0 : i32
          %dma_wait3A_41 = arith.constant 0 : i32
          %dma_wait3A_42 = tpu.memref_slice %arg2[%dma_wait3A_40, %dma_wait3A_41] : memref<10000x128xf32, #tpu.memory_space<hbm>> -> memref<10000x128xf32, #tpu.memory_space<hbm>>
          tpu.wait_indirect_dma semaphore(%run_scoped3A : memref<!tpu.dma_semaphore, #tpu.memory_space<semaphore_mem>>) src(%dma_wait3A_42 : memref<10000x128xf32, #tpu.memory_space<hbm>>) dst(%arg11 : memref<80x128xf32, #tpu.memory_space<vmem>>)
          tpu.yield
        }) : () -> ()
        %scan3A_27 = arith.constant 0 : i32
        %scan3A_28 = arith.constant 0 : i32
        %scan3A_29 = arith.constant 80 : i32
        %scan3A_30 = arith.addi %scan3A_28, %scan3A_29 : i32
        %scan3A_31 = arith.constant 1 : i32
        scf.for %scan3A_33 = %scan3A_28 to %scan3A_30 step %scan3A_31  : i32 {
          %mul3A_34 = arith.constant 80 : i32
          %mul3A_35 = arith.muli %scan3A_26, %mul3A_34 : i32
          %add3A_36 = arith.addi %mul3A_35, %scan3A_33 : i32
          %broadcast_in_dim3A = vector.broadcast %add3A_36 : i32 to vector<16xi32>
          %gather3A = tpu.vector_load_idx %arg10[%broadcast_in_dim3A] : memref<2000xf32, #tpu.memory_space<vmem>>[vector<16xi32>], vector<16xf32>,
          %get3A = arith.index_cast %scan3A_33 : i32 to index
          %get3A_37 = arith.constant 0 : index
          %get3A_38 = tpu.vector_load %arg11[%get3A, %get3A_37] {strides = array<i32>} : memref<80x128xf32, #tpu.memory_space<vmem>>, vector<16xf32>,
          %mul3A_39 = arith.mulf %get3A_38, %gather3A : vector<16xf32>
          %swap3A = arith.index_cast %scan3A_33 : i32 to index
          %swap3A_40 = arith.constant 0 : index
          %swap3A_41 = tpu.vector_load %arg11[%swap3A, %swap3A_40] {strides = array<i32>} : memref<80x128xf32, #tpu.memory_space<vmem>>, vector<16xf32>,
          tpu.vector_store %arg11[%swap3A, %swap3A_40], %mul3A_39 {strides = array<i32>} : memref<80x128xf32, #tpu.memory_space<vmem>>, vector<16xf32>,
          %get3A_42 = arith.index_cast %scan3A_33 : i32 to index
          %get3A_43 = arith.constant 16 : index
          %get3A_44 = tpu.vector_load %arg11[%get3A_42, %get3A_43] {strides = array<i32>} : memref<80x128xf32, #tpu.memory_space<vmem>>, vector<16xf32>,
          %mul3A_45 = arith.mulf %get3A_44, %gather3A : vector<16xf32>
          %swap3A_46 = arith.index_cast %scan3A_33 : i32 to index
          %swap3A_47 = arith.constant 16 : index
          %swap3A_48 = tpu.vector_load %arg11[%swap3A_46, %swap3A_47] {strides = array<i32>} : memref<80x128xf32, #tpu.memory_space<vmem>>, vector<16xf32>,
          tpu.vector_store %arg11[%swap3A_46, %swap3A_47], %mul3A_45 {strides = array<i32>} : memref<80x128xf32, #tpu.memory_space<vmem>>, vector<16xf32>,
          %get3A_49 = arith.index_cast %scan3A_33 : i32 to index
          %get3A_50 = arith.constant 32 : index
          %get3A_51 = tpu.vector_load %arg11[%get3A_49, %get3A_50] {strides = array<i32>} : memref<80x128xf32, #tpu.memory_space<vmem>>, vector<16xf32>,
          %mul3A_52 = arith.mulf %get3A_51, %gather3A : vector<16xf32>
          %swap3A_53 = arith.index_cast %scan3A_33 : i32 to index
          %swap3A_54 = arith.constant 32 : index
          %swap3A_55 = tpu.vector_load %arg11[%swap3A_53, %swap3A_54] {strides = array<i32>} : memref<80x128xf32, #tpu.memory_space<vmem>>, vector<16xf32>,
          tpu.vector_store %arg11[%swap3A_53, %swap3A_54], %mul3A_52 {strides = array<i32>} : memref<80x128xf32, #tpu.memory_space<vmem>>, vector<16xf32>,
          %get3A_56 = arith.index_cast %scan3A_33 : i32 to index
          %get3A_57 = arith.constant 48 : index
          %get3A_58 = tpu.vector_load %arg11[%get3A_56, %get3A_57] {strides = array<i32>} : memref<80x128xf32, #tpu.memory_space<vmem>>, vector<16xf32>,
          %mul3A_59 = arith.mulf %get3A_58, %gather3A : vector<16xf32>
          %swap3A_60 = arith.index_cast %scan3A_33 : i32 to index
          %swap3A_61 = arith.constant 48 : index
          %swap3A_62 = tpu.vector_load %arg11[%swap3A_60, %swap3A_61] {strides = array<i32>} : memref<80x128xf32, #tpu.memory_space<vmem>>, vector<16xf32>,
          tpu.vector_store %arg11[%swap3A_60, %swap3A_61], %mul3A_59 {strides = array<i32>} : memref<80x128xf32, #tpu.memory_space<vmem>>, vector<16xf32>,
          %get3A_63 = arith.index_cast %scan3A_33 : i32 to index
          %get3A_64 = arith.constant 64 : index
          %get3A_65 = tpu.vector_load %arg11[%get3A_63, %get3A_64] {strides = array<i32>} : memref<80x128xf32, #tpu.memory_space<vmem>>, vector<16xf32>,
          %mul3A_66 = arith.mulf %get3A_65, %gather3A : vector<16xf32>
          %swap3A_67 = arith.index_cast %scan3A_33 : i32 to index
          %swap3A_68 = arith.constant 64 : index
          %swap3A_69 = tpu.vector_load %arg11[%swap3A_67, %swap3A_68] {strides = array<i32>} : memref<80x128xf32, #tpu.memory_space<vmem>>, vector<16xf32>,
          tpu.vector_store %arg11[%swap3A_67, %swap3A_68], %mul3A_66 {strides = array<i32>} : memref<80x128xf32, #tpu.memory_space<vmem>>, vector<16xf32>,
          %get3A_70 = arith.index_cast %scan3A_33 : i32 to index
          %get3A_71 = arith.constant 80 : index
          %get3A_72 = tpu.vector_load %arg11[%get3A_70, %get3A_71] {strides = array<i32>} : memref<80x128xf32, #tpu.memory_space<vmem>>, vector<16xf32>,
          %mul3A_73 = arith.mulf %get3A_72, %gather3A : vector<16xf32>
          %swap3A_74 = arith.index_cast %scan3A_33 : i32 to index
          %swap3A_75 = arith.constant 80 : index
          %swap3A_76 = tpu.vector_load %arg11[%swap3A_74, %swap3A_75] {strides = array<i32>} : memref<80x128xf32, #tpu.memory_space<vmem>>, vector<16xf32>,
          tpu.vector_store %arg11[%swap3A_74, %swap3A_75], %mul3A_73 {strides = array<i32>} : memref<80x128xf32, #tpu.memory_space<vmem>>, vector<16xf32>,
          %get3A_77 = arith.index_cast %scan3A_33 : i32 to index
          %get3A_78 = arith.constant 96 : index
          %get3A_79 = tpu.vector_load %arg11[%get3A_77, %get3A_78] {strides = array<i32>} : memref<80x128xf32, #tpu.memory_space<vmem>>, vector<16xf32>,
          %mul3A_80 = arith.mulf %get3A_79, %gather3A : vector<16xf32>
          %swap3A_81 = arith.index_cast %scan3A_33 : i32 to index
          %swap3A_82 = arith.constant 96 : index
          %swap3A_83 = tpu.vector_load %arg11[%swap3A_81, %swap3A_82] {strides = array<i32>} : memref<80x128xf32, #tpu.memory_space<vmem>>, vector<16xf32>,
          tpu.vector_store %arg11[%swap3A_81, %swap3A_82], %mul3A_80 {strides = array<i32>} : memref<80x128xf32, #tpu.memory_space<vmem>>, vector<16xf32>,
          %get3A_84 = arith.index_cast %scan3A_33 : i32 to index
          %get3A_85 = arith.constant 112 : index
          %get3A_86 = tpu.vector_load %arg11[%get3A_84, %get3A_85] {strides = array<i32>} : memref<80x128xf32, #tpu.memory_space<vmem>>, vector<16xf32>,
          %mul3A_87 = arith.mulf %get3A_86, %gather3A : vector<16xf32>
          %swap3A_88 = arith.index_cast %scan3A_33 : i32 to index
          %swap3A_89 = arith.constant 112 : index
          %swap3A_90 = tpu.vector_load %arg11[%swap3A_88, %swap3A_89] {strides = array<i32>} : memref<80x128xf32, #tpu.memory_space<vmem>>, vector<16xf32>,
          tpu.vector_store %arg11[%swap3A_88, %swap3A_89], %mul3A_87 {strides = array<i32>} : memref<80x128xf32, #tpu.memory_space<vmem>>, vector<16xf32>,
        }
        %scan3A_32 = arith.constant 80 : i32
        "tpu.region"() ({
          %run_scoped3A = tpu.sem_alloc : memref<!tpu.dma_semaphore, #tpu.memory_space<semaphore_mem>>
          %dma_start3A = arith.constant 0 : i32
          %dma_start3A_33 = tpu.memref_slice %arg9[%scan3A_26, %dma_start3A] : memref<25x80xi32, #tpu.memory_space<vmem>> -> memref<1x80xi32, #tpu.memory_space<vmem>>
          %dma_start3A_34 = tpu.memref_squeeze %dma_start3A_33 : memref<1x80xi32, #tpu.memory_space<vmem>> -> memref<80xi32, #tpu.memory_space<vmem>>
          %dma_start3A_35 = arith.constant 0 : i32
          %dma_start3A_36 = arith.constant 0 : i32
          %dma_start3A_37 = tpu.memref_slice %arg13[%dma_start3A_35, %dma_start3A_36] : memref<10000x128xf32, #tpu.memory_space<vmem_shared>> -> memref<10000x128xf32, #tpu.memory_space<vmem_shared>>
          tpu.enqueue_indirect_dma source(%arg11 : memref<80x128xf32, #tpu.memory_space<vmem>>) target(%dma_start3A_37 : memref<10000x128xf32, #tpu.memory_space<vmem_shared>>) offsets(%dma_start3A_34 : memref<80xi32, #tpu.memory_space<vmem>>) semaphore(%run_scoped3A : memref<!tpu.dma_semaphore, #tpu.memory_space<semaphore_mem>>) {add = true}
          %dma_wait3A = arith.constant 0 : i32
          %dma_wait3A_38 = tpu.memref_slice %arg9[%scan3A_26, %dma_wait3A] : memref<25x80xi32, #tpu.memory_space<vmem>> -> memref<1x80xi32, #tpu.memory_space<vmem>>
          %dma_wait3A_39 = tpu.memref_squeeze %dma_wait3A_38 : memref<1x80xi32, #tpu.memory_space<vmem>> -> memref<80xi32, #tpu.memory_space<vmem>>
          %dma_wait3A_40 = arith.constant 0 : i32
          %dma_wait3A_41 = arith.constant 0 : i32
          %dma_wait3A_42 = tpu.memref_slice %arg13[%dma_wait3A_40, %dma_wait3A_41] : memref<10000x128xf32, #tpu.memory_space<vmem_shared>> -> memref<10000x128xf32, #tpu.memory_space<vmem_shared>>
          tpu.wait_indirect_dma semaphore(%run_scoped3A : memref<!tpu.dma_semaphore, #tpu.memory_space<semaphore_mem>>) src(%arg11 : memref<80x128xf32, #tpu.memory_space<vmem>>) dst(%dma_wait3A_42 : memref<10000x128xf32, #tpu.memory_space<vmem_shared>>)
          tpu.yield
        }) : () -> ()
      }
      %scan3A_25 = arith.constant 25 : i32
    }
    %scan3A_9 = arith.constant 5 : i32
    %barrier3A_10 = arith.constant 0 : index
    tpu.barrier barrier_id(%barrier3A_10)
    %lt3A_11 = arith.constant 10 : i32
    %lt3A_12 = arith.cmpi slt, %arg1, %lt3A_11 : i32
    %convert_element_type3A_13 = arith.extui %lt3A_12 : i1 to i32
    %cond3A_14 = arith.constant 0 : i32
    %cond3A_15 = arith.cmpi ne, %convert_element_type3A_13, %cond3A_14 : i32
    scf.if %cond3A_15 {
      %scan3A_16 = arith.constant 0 : i32
      %scan3A_17 = arith.constant 0 : i32
      %scan3A_18 = arith.constant 25 : i32
      %scan3A_19 = arith.addi %scan3A_17, %scan3A_18 : i32
      %scan3A_20 = arith.constant 1 : i32
      scf.for %scan3A_22 = %scan3A_17 to %scan3A_19 step %scan3A_20  : i32 {
        %mul3A_23 = arith.constant 40 : i32
        %mul3A_24 = arith.muli %scan3A_22, %mul3A_23 : i32
        %add3A_25 = arith.addi %mul3A_2, %mul3A_24 : i32
        "tpu.region"() ({
          %run_scoped3A = tpu.sem_alloc : memref<!tpu.dma_semaphore, #tpu.memory_space<semaphore_mem>>
          %dma_start3A = arith.constant 0 : i32
          %dma_start3A_26 = tpu.memref_slice %arg13[%add3A_25, %dma_start3A] : memref<10000x128xf32, #tpu.memory_space<vmem_shared>> -> memref<40x128xf32, #tpu.memory_space<vmem_shared>>
          %dma_start3A_27 = arith.constant 0 : i32
          %dma_start3A_28 = tpu.memref_slice %arg13[%add3A_25, %dma_start3A_27] : memref<10000x128xf32, #tpu.memory_space<vmem_shared>> -> memref<40x128xf32, #tpu.memory_space<vmem_shared>>
          tpu.enqueue_dma source(%dma_start3A_28 : memref<40x128xf32, #tpu.memory_space<vmem_shared>>) target(%arg12 : memref<40x128xf32, #tpu.memory_space<vmem>>) target_semaphore(%run_scoped3A : memref<!tpu.dma_semaphore, #tpu.memory_space<semaphore_mem>>)
          %dma_wait3A = arith.constant 0 : i32
          %dma_wait3A_29 = tpu.memref_slice %arg13[%add3A_25, %dma_wait3A] : memref<10000x128xf32, #tpu.memory_space<vmem_shared>> -> memref<40x128xf32, #tpu.memory_space<vmem_shared>>
          %dma_wait3A_30 = arith.constant 0 : i32
          %dma_wait3A_31 = tpu.memref_slice %arg13[%add3A_25, %dma_wait3A_30] : memref<10000x128xf32, #tpu.memory_space<vmem_shared>> -> memref<40x128xf32, #tpu.memory_space<vmem_shared>>
          tpu.wait_dma2 semaphore(%run_scoped3A : memref<!tpu.dma_semaphore, #tpu.memory_space<semaphore_mem>>) src(%dma_wait3A_31 : memref<40x128xf32, #tpu.memory_space<vmem_shared>>) dst(%arg12 : memref<40x128xf32, #tpu.memory_space<vmem>>)
          tpu.yield
        }) : () -> ()
        "tpu.region"() ({
          %run_scoped3A = tpu.sem_alloc : memref<!tpu.dma_semaphore, #tpu.memory_space<semaphore_mem>>
          %dma_start3A = arith.constant 0 : i32
          %dma_start3A_26 = tpu.memref_slice %arg7[%arg0, %add3A_25, %dma_start3A] : memref<2x10000x128xf32, #tpu.memory_space<hbm>> -> memref<1x40x128xf32, #tpu.memory_space<hbm>>
          %dma_start3A_27 = tpu.memref_squeeze %dma_start3A_26 : memref<1x40x128xf32, #tpu.memory_space<hbm>> -> memref<40x128xf32, #tpu.memory_space<hbm>>
          %dma_start3A_28 = arith.constant 0 : i32
          %dma_start3A_29 = tpu.memref_slice %arg7[%arg0, %add3A_25, %dma_start3A_28] : memref<2x10000x128xf32, #tpu.memory_space<hbm>> -> memref<1x40x128xf32, #tpu.memory_space<hbm>>
          %dma_start3A_30 = tpu.memref_squeeze %dma_start3A_29 : memref<1x40x128xf32, #tpu.memory_space<hbm>> -> memref<40x128xf32, #tpu.memory_space<hbm>>
          tpu.enqueue_dma source(%arg12 : memref<40x128xf32, #tpu.memory_space<vmem>>) target(%dma_start3A_30 : memref<40x128xf32, #tpu.memory_space<hbm>>) target_semaphore(%run_scoped3A : memref<!tpu.dma_semaphore, #tpu.memory_space<semaphore_mem>>)
          %dma_wait3A = arith.constant 0 : i32
          %dma_wait3A_31 = tpu.memref_slice %arg7[%arg0, %add3A_25, %dma_wait3A] : memref<2x10000x128xf32, #tpu.memory_space<hbm>> -> memref<1x40x128xf32, #tpu.memory_space<hbm>>
          %dma_wait3A_32 = tpu.memref_squeeze %dma_wait3A_31 : memref<1x40x128xf32, #tpu.memory_space<hbm>> -> memref<40x128xf32, #tpu.memory_space<hbm>>
          %dma_wait3A_33 = arith.constant 0 : i32
          %dma_wait3A_34 = tpu.memref_slice %arg7[%arg0, %add3A_25, %dma_wait3A_33] : memref<2x10000x128xf32, #tpu.memory_space<hbm>> -> memref<1x40x128xf32, #tpu.memory_space<hbm>>
          %dma_wait3A_35 = tpu.memref_squeeze %dma_wait3A_34 : memref<1x40x128xf32, #tpu.memory_space<hbm>> -> memref<40x128xf32, #tpu.memory_space<hbm>>
          tpu.wait_dma2 semaphore(%run_scoped3A : memref<!tpu.dma_semaphore, #tpu.memory_space<semaphore_mem>>) src(%arg12 : memref<40x128xf32, #tpu.memory_space<vmem>>) dst(%dma_wait3A_35 : memref<40x128xf32, #tpu.memory_space<hbm>>)
          tpu.yield
        }) : () -> ()
      }
      %scan3A_21 = arith.constant 25 : i32
    } else {
    }
    return
  }
}

#map = affine_map<(d0, d1) -> (0, 0, 0)>
#map1 = affine_map<(d0, d1) -> (0)>
module attributes {stable_mosaic.version = 14 : i64} {
  func.func @_sc_deg(%arg0: i32, %arg1: i32, %arg2: memref<32x125x80xi32, #tpu.memory_space<hbm>>, %arg3: memref<32x125x80xf32, #tpu.memory_space<hbm>>, %arg4: memref<10000xf32, #tpu.memory_space<hbm>>, %arg5: memref<20000xf32, #tpu.memory_space<hbm>>, %arg6: memref<125x80xi32, #tpu.memory_space<vmem>>, %arg7: memref<125x80xf32, #tpu.memory_space<vmem>>, %arg8: memref<1000xf32, #tpu.memory_space<vmem>>, %arg9: memref<10000xf32, #tpu.memory_space<vmem_shared>>) attributes {dimension_semantics = [#tpu.dimension_semantics<core_parallel>, #tpu.dimension_semantics<subcore_parallel>], iteration_bounds = array<i64: 2, 16>, scalar_prefetch = 0 : i64, scratch_operands = 4 : i64, tpu.core_type = #tpu.core_type<sc_vector_subcore>, window_params = [{transform_indices = #map}, {transform_indices = #map}, {transform_indices = #map1}, {transform_indices = #map1}]} {
    %mul3A = arith.constant 2 : i32
    %mul3A_0 = arith.muli %arg1, %mul3A : i32
    %add3A = arith.addi %mul3A_0, %arg0 : i32
    %lt3A = arith.constant 10 : i32
    %lt3A_1 = arith.cmpi slt, %arg1, %lt3A : i32
    %convert_element_type3A = arith.extui %lt3A_1 : i1 to i32
    %cond3A = arith.constant 0 : i32
    %cond3A_2 = arith.cmpi ne, %convert_element_type3A, %cond3A : i32
    scf.if %cond3A_2 {
      %mul3A_14 = arith.constant 1000 : i32
      %mul3A_15 = arith.muli %arg1, %mul3A_14 : i32
      "tpu.region"() ({
        %run_scoped3A = tpu.sem_alloc : memref<!tpu.dma_semaphore, #tpu.memory_space<semaphore_mem>>
        %dma_start3A = tpu.memref_slice %arg4[%mul3A_15] : memref<10000xf32, #tpu.memory_space<hbm>> -> memref<1000xf32, #tpu.memory_space<hbm>>
        %dma_start3A_16 = tpu.memref_slice %arg4[%mul3A_15] : memref<10000xf32, #tpu.memory_space<hbm>> -> memref<1000xf32, #tpu.memory_space<hbm>>
        tpu.enqueue_dma source(%dma_start3A_16 : memref<1000xf32, #tpu.memory_space<hbm>>) target(%arg8 : memref<1000xf32, #tpu.memory_space<vmem>>) target_semaphore(%run_scoped3A : memref<!tpu.dma_semaphore, #tpu.memory_space<semaphore_mem>>)
        %dma_wait3A = tpu.memref_slice %arg4[%mul3A_15] : memref<10000xf32, #tpu.memory_space<hbm>> -> memref<1000xf32, #tpu.memory_space<hbm>>
        %dma_wait3A_17 = tpu.memref_slice %arg4[%mul3A_15] : memref<10000xf32, #tpu.memory_space<hbm>> -> memref<1000xf32, #tpu.memory_space<hbm>>
        tpu.wait_dma2 semaphore(%run_scoped3A : memref<!tpu.dma_semaphore, #tpu.memory_space<semaphore_mem>>) src(%dma_wait3A_17 : memref<1000xf32, #tpu.memory_space<hbm>>) dst(%arg8 : memref<1000xf32, #tpu.memory_space<vmem>>)
        tpu.yield
      }) : () -> ()
      "tpu.region"() ({
        %run_scoped3A = tpu.sem_alloc : memref<!tpu.dma_semaphore, #tpu.memory_space<semaphore_mem>>
        %dma_start3A = tpu.memref_slice %arg9[%mul3A_15] : memref<10000xf32, #tpu.memory_space<vmem_shared>> -> memref<1000xf32, #tpu.memory_space<vmem_shared>>
        %dma_start3A_16 = tpu.memref_slice %arg9[%mul3A_15] : memref<10000xf32, #tpu.memory_space<vmem_shared>> -> memref<1000xf32, #tpu.memory_space<vmem_shared>>
        tpu.enqueue_dma source(%arg8 : memref<1000xf32, #tpu.memory_space<vmem>>) target(%dma_start3A_16 : memref<1000xf32, #tpu.memory_space<vmem_shared>>) target_semaphore(%run_scoped3A : memref<!tpu.dma_semaphore, #tpu.memory_space<semaphore_mem>>)
        %dma_wait3A = tpu.memref_slice %arg9[%mul3A_15] : memref<10000xf32, #tpu.memory_space<vmem_shared>> -> memref<1000xf32, #tpu.memory_space<vmem_shared>>
        %dma_wait3A_17 = tpu.memref_slice %arg9[%mul3A_15] : memref<10000xf32, #tpu.memory_space<vmem_shared>> -> memref<1000xf32, #tpu.memory_space<vmem_shared>>
        tpu.wait_dma2 semaphore(%run_scoped3A : memref<!tpu.dma_semaphore, #tpu.memory_space<semaphore_mem>>) src(%arg8 : memref<1000xf32, #tpu.memory_space<vmem>>) dst(%dma_wait3A_17 : memref<1000xf32, #tpu.memory_space<vmem_shared>>)
        tpu.yield
      }) : () -> ()
    } else {
    }
    "tpu.region"() ({
      %run_scoped3A = tpu.sem_alloc : memref<!tpu.dma_semaphore, #tpu.memory_space<semaphore_mem>>
      %dma_start3A = arith.constant 0 : i32
      %dma_start3A_14 = arith.constant 0 : i32
      %dma_start3A_15 = tpu.memref_slice %arg2[%add3A, %dma_start3A, %dma_start3A_14] : memref<32x125x80xi32, #tpu.memory_space<hbm>> -> memref<1x125x80xi32, #tpu.memory_space<hbm>>
      %dma_start3A_16 = tpu.memref_squeeze %dma_start3A_15 : memref<1x125x80xi32, #tpu.memory_space<hbm>> -> memref<125x80xi32, #tpu.memory_space<hbm>>
      %dma_start3A_17 = arith.constant 0 : i32
      %dma_start3A_18 = arith.constant 0 : i32
      %dma_start3A_19 = tpu.memref_slice %arg2[%add3A, %dma_start3A_17, %dma_start3A_18] : memref<32x125x80xi32, #tpu.memory_space<hbm>> -> memref<1x125x80xi32, #tpu.memory_space<hbm>>
      %dma_start3A_20 = tpu.memref_squeeze %dma_start3A_19 : memref<1x125x80xi32, #tpu.memory_space<hbm>> -> memref<125x80xi32, #tpu.memory_space<hbm>>
      tpu.enqueue_dma source(%dma_start3A_20 : memref<125x80xi32, #tpu.memory_space<hbm>>) target(%arg6 : memref<125x80xi32, #tpu.memory_space<vmem>>) target_semaphore(%run_scoped3A : memref<!tpu.dma_semaphore, #tpu.memory_space<semaphore_mem>>)
      %dma_wait3A = arith.constant 0 : i32
      %dma_wait3A_21 = arith.constant 0 : i32
      %dma_wait3A_22 = tpu.memref_slice %arg2[%add3A, %dma_wait3A, %dma_wait3A_21] : memref<32x125x80xi32, #tpu.memory_space<hbm>> -> memref<1x125x80xi32, #tpu.memory_space<hbm>>
      %dma_wait3A_23 = tpu.memref_squeeze %dma_wait3A_22 : memref<1x125x80xi32, #tpu.memory_space<hbm>> -> memref<125x80xi32, #tpu.memory_space<hbm>>
      %dma_wait3A_24 = arith.constant 0 : i32
      %dma_wait3A_25 = arith.constant 0 : i32
      %dma_wait3A_26 = tpu.memref_slice %arg2[%add3A, %dma_wait3A_24, %dma_wait3A_25] : memref<32x125x80xi32, #tpu.memory_space<hbm>> -> memref<1x125x80xi32, #tpu.memory_space<hbm>>
      %dma_wait3A_27 = tpu.memref_squeeze %dma_wait3A_26 : memref<1x125x80xi32, #tpu.memory_space<hbm>> -> memref<125x80xi32, #tpu.memory_space<hbm>>
      tpu.wait_dma2 semaphore(%run_scoped3A : memref<!tpu.dma_semaphore, #tpu.memory_space<semaphore_mem>>) src(%dma_wait3A_27 : memref<125x80xi32, #tpu.memory_space<hbm>>) dst(%arg6 : memref<125x80xi32, #tpu.memory_space<vmem>>)
      tpu.yield
    }) : () -> ()
    "tpu.region"() ({
      %run_scoped3A = tpu.sem_alloc : memref<!tpu.dma_semaphore, #tpu.memory_space<semaphore_mem>>
      %dma_start3A = arith.constant 0 : i32
      %dma_start3A_14 = arith.constant 0 : i32
      %dma_start3A_15 = tpu.memref_slice %arg3[%add3A, %dma_start3A, %dma_start3A_14] : memref<32x125x80xf32, #tpu.memory_space<hbm>> -> memref<1x125x80xf32, #tpu.memory_space<hbm>>
      %dma_start3A_16 = tpu.memref_squeeze %dma_start3A_15 : memref<1x125x80xf32, #tpu.memory_space<hbm>> -> memref<125x80xf32, #tpu.memory_space<hbm>>
      %dma_start3A_17 = arith.constant 0 : i32
      %dma_start3A_18 = arith.constant 0 : i32
      %dma_start3A_19 = tpu.memref_slice %arg3[%add3A, %dma_start3A_17, %dma_start3A_18] : memref<32x125x80xf32, #tpu.memory_space<hbm>> -> memref<1x125x80xf32, #tpu.memory_space<hbm>>
      %dma_start3A_20 = tpu.memref_squeeze %dma_start3A_19 : memref<1x125x80xf32, #tpu.memory_space<hbm>> -> memref<125x80xf32, #tpu.memory_space<hbm>>
      tpu.enqueue_dma source(%dma_start3A_20 : memref<125x80xf32, #tpu.memory_space<hbm>>) target(%arg7 : memref<125x80xf32, #tpu.memory_space<vmem>>) target_semaphore(%run_scoped3A : memref<!tpu.dma_semaphore, #tpu.memory_space<semaphore_mem>>)
      %dma_wait3A = arith.constant 0 : i32
      %dma_wait3A_21 = arith.constant 0 : i32
      %dma_wait3A_22 = tpu.memref_slice %arg3[%add3A, %dma_wait3A, %dma_wait3A_21] : memref<32x125x80xf32, #tpu.memory_space<hbm>> -> memref<1x125x80xf32, #tpu.memory_space<hbm>>
      %dma_wait3A_23 = tpu.memref_squeeze %dma_wait3A_22 : memref<1x125x80xf32, #tpu.memory_space<hbm>> -> memref<125x80xf32, #tpu.memory_space<hbm>>
      %dma_wait3A_24 = arith.constant 0 : i32
      %dma_wait3A_25 = arith.constant 0 : i32
      %dma_wait3A_26 = tpu.memref_slice %arg3[%add3A, %dma_wait3A_24, %dma_wait3A_25] : memref<32x125x80xf32, #tpu.memory_space<hbm>> -> memref<1x125x80xf32, #tpu.memory_space<hbm>>
      %dma_wait3A_27 = tpu.memref_squeeze %dma_wait3A_26 : memref<1x125x80xf32, #tpu.memory_space<hbm>> -> memref<125x80xf32, #tpu.memory_space<hbm>>
      tpu.wait_dma2 semaphore(%run_scoped3A : memref<!tpu.dma_semaphore, #tpu.memory_space<semaphore_mem>>) src(%dma_wait3A_27 : memref<125x80xf32, #tpu.memory_space<hbm>>) dst(%arg7 : memref<125x80xf32, #tpu.memory_space<vmem>>)
      tpu.yield
    }) : () -> ()
    %barrier3A = arith.constant 0 : index
    tpu.barrier barrier_id(%barrier3A)
    %scan3A = arith.constant 0 : i32
    %scan3A_3 = arith.constant 0 : i32
    %scan3A_4 = arith.constant 125 : i32
    %scan3A_5 = arith.addi %scan3A_3, %scan3A_4 : i32
    %scan3A_6 = arith.constant 1 : i32
    scf.for %scan3A_14 = %scan3A_3 to %scan3A_5 step %scan3A_6  : i32 {
      "tpu.region"() ({
        %run_scoped3A = tpu.sem_alloc : memref<!tpu.dma_semaphore, #tpu.memory_space<semaphore_mem>>
        %dma_start3A = arith.constant 0 : i32
        %dma_start3A_15 = tpu.memref_slice %arg7[%scan3A_14, %dma_start3A] : memref<125x80xf32, #tpu.memory_space<vmem>> -> memref<1x80xf32, #tpu.memory_space<vmem>>
        %dma_start3A_16 = tpu.memref_squeeze %dma_start3A_15 : memref<1x80xf32, #tpu.memory_space<vmem>> -> memref<80xf32, #tpu.memory_space<vmem>>
        %dma_start3A_17 = arith.constant 0 : i32
        %dma_start3A_18 = tpu.memref_slice %arg6[%scan3A_14, %dma_start3A_17] : memref<125x80xi32, #tpu.memory_space<vmem>> -> memref<1x80xi32, #tpu.memory_space<vmem>>
        %dma_start3A_19 = tpu.memref_squeeze %dma_start3A_18 : memref<1x80xi32, #tpu.memory_space<vmem>> -> memref<80xi32, #tpu.memory_space<vmem>>
        %dma_start3A_20 = arith.constant 0 : i32
        %dma_start3A_21 = tpu.memref_slice %arg9[%dma_start3A_20] : memref<10000xf32, #tpu.memory_space<vmem_shared>> -> memref<10000xf32, #tpu.memory_space<vmem_shared>>
        tpu.enqueue_indirect_dma source(%dma_start3A_16 : memref<80xf32, #tpu.memory_space<vmem>>) target(%dma_start3A_21 : memref<10000xf32, #tpu.memory_space<vmem_shared>>) offsets(%dma_start3A_19 : memref<80xi32, #tpu.memory_space<vmem>>) semaphore(%run_scoped3A : memref<!tpu.dma_semaphore, #tpu.memory_space<semaphore_mem>>) {add = true}
        %dma_wait3A = arith.constant 0 : i32
        %dma_wait3A_22 = tpu.memref_slice %arg7[%scan3A_14, %dma_wait3A] : memref<125x80xf32, #tpu.memory_space<vmem>> -> memref<1x80xf32, #tpu.memory_space<vmem>>
        %dma_wait3A_23 = tpu.memref_squeeze %dma_wait3A_22 : memref<1x80xf32, #tpu.memory_space<vmem>> -> memref<80xf32, #tpu.memory_space<vmem>>
        %dma_wait3A_24 = arith.constant 0 : i32
        %dma_wait3A_25 = tpu.memref_slice %arg6[%scan3A_14, %dma_wait3A_24] : memref<125x80xi32, #tpu.memory_space<vmem>> -> memref<1x80xi32, #tpu.memory_space<vmem>>
        %dma_wait3A_26 = tpu.memref_squeeze %dma_wait3A_25 : memref<1x80xi32, #tpu.memory_space<vmem>> -> memref<80xi32, #tpu.memory_space<vmem>>
        %dma_wait3A_27 = arith.constant 0 : i32
        %dma_wait3A_28 = tpu.memref_slice %arg9[%dma_wait3A_27] : memref<10000xf32, #tpu.memory_space<vmem_shared>> -> memref<10000xf32, #tpu.memory_space<vmem_shared>>
        tpu.wait_indirect_dma semaphore(%run_scoped3A : memref<!tpu.dma_semaphore, #tpu.memory_space<semaphore_mem>>) src(%dma_wait3A_23 : memref<80xf32, #tpu.memory_space<vmem>>) dst(%dma_wait3A_28 : memref<10000xf32, #tpu.memory_space<vmem_shared>>)
        tpu.yield
      }) : () -> ()
    }
    %scan3A_7 = arith.constant 125 : i32
    %barrier3A_8 = arith.constant 0 : index
    tpu.barrier barrier_id(%barrier3A_8)
    %lt3A_9 = arith.constant 10 : i32
    %lt3A_10 = arith.cmpi slt, %arg1, %lt3A_9 : i32
    %convert_element_type3A_11 = arith.extui %lt3A_10 : i1 to i32
    %cond3A_12 = arith.constant 0 : i32
    %cond3A_13 = arith.cmpi ne, %convert_element_type3A_11, %cond3A_12 : i32
    scf.if %cond3A_13 {
      %mul3A_14 = arith.constant 1000 : i32
      %mul3A_15 = arith.muli %arg1, %mul3A_14 : i32
      "tpu.region"() ({
        %run_scoped3A = tpu.sem_alloc : memref<!tpu.dma_semaphore, #tpu.memory_space<semaphore_mem>>
        %dma_start3A = tpu.memref_slice %arg9[%mul3A_15] : memref<10000xf32, #tpu.memory_space<vmem_shared>> -> memref<1000xf32, #tpu.memory_space<vmem_shared>>
        %dma_start3A_21 = tpu.memref_slice %arg9[%mul3A_15] : memref<10000xf32, #tpu.memory_space<vmem_shared>> -> memref<1000xf32, #tpu.memory_space<vmem_shared>>
        tpu.enqueue_dma source(%dma_start3A_21 : memref<1000xf32, #tpu.memory_space<vmem_shared>>) target(%arg8 : memref<1000xf32, #tpu.memory_space<vmem>>) target_semaphore(%run_scoped3A : memref<!tpu.dma_semaphore, #tpu.memory_space<semaphore_mem>>)
        %dma_wait3A = tpu.memref_slice %arg9[%mul3A_15] : memref<10000xf32, #tpu.memory_space<vmem_shared>> -> memref<1000xf32, #tpu.memory_space<vmem_shared>>
        %dma_wait3A_22 = tpu.memref_slice %arg9[%mul3A_15] : memref<10000xf32, #tpu.memory_space<vmem_shared>> -> memref<1000xf32, #tpu.memory_space<vmem_shared>>
        tpu.wait_dma2 semaphore(%run_scoped3A : memref<!tpu.dma_semaphore, #tpu.memory_space<semaphore_mem>>) src(%dma_wait3A_22 : memref<1000xf32, #tpu.memory_space<vmem_shared>>) dst(%arg8 : memref<1000xf32, #tpu.memory_space<vmem>>)
        tpu.yield
      }) : () -> ()
      %mul3A_16 = arith.constant 10000 : i32
      %mul3A_17 = arith.muli %arg0, %mul3A_16 : i32
      %mul3A_18 = arith.constant 1000 : i32
      %mul3A_19 = arith.muli %arg1, %mul3A_18 : i32
      %add3A_20 = arith.addi %mul3A_17, %mul3A_19 : i32
      "tpu.region"() ({
        %run_scoped3A = tpu.sem_alloc : memref<!tpu.dma_semaphore, #tpu.memory_space<semaphore_mem>>
        %dma_start3A = tpu.memref_slice %arg5[%add3A_20] : memref<20000xf32, #tpu.memory_space<hbm>> -> memref<1000xf32, #tpu.memory_space<hbm>>
        %dma_start3A_21 = tpu.memref_slice %arg5[%add3A_20] : memref<20000xf32, #tpu.memory_space<hbm>> -> memref<1000xf32, #tpu.memory_space<hbm>>
        tpu.enqueue_dma source(%arg8 : memref<1000xf32, #tpu.memory_space<vmem>>) target(%dma_start3A_21 : memref<1000xf32, #tpu.memory_space<hbm>>) target_semaphore(%run_scoped3A : memref<!tpu.dma_semaphore, #tpu.memory_space<semaphore_mem>>)
        %dma_wait3A = tpu.memref_slice %arg5[%add3A_20] : memref<20000xf32, #tpu.memory_space<hbm>> -> memref<1000xf32, #tpu.memory_space<hbm>>
        %dma_wait3A_22 = tpu.memref_slice %arg5[%add3A_20] : memref<20000xf32, #tpu.memory_space<hbm>> -> memref<1000xf32, #tpu.memory_space<hbm>>
        tpu.wait_dma2 semaphore(%run_scoped3A : memref<!tpu.dma_semaphore, #tpu.memory_space<semaphore_mem>>) src(%arg8 : memref<1000xf32, #tpu.memory_space<vmem>>) dst(%dma_wait3A_22 : memref<1000xf32, #tpu.memory_space<hbm>>)
        tpu.yield
      }) : () -> ()
    } else {
    }
    return
  }
}

#map = affine_map<(d0, d1) -> (0, 0)>
#map1 = affine_map<(d0, d1) -> (0, 0, 0)>
module attributes {stable_mosaic.version = 14 : i64} {
  func.func @_sc_agg(%arg0: i32, %arg1: i32, %arg2: memref<10000x128xf32, #tpu.memory_space<hbm>>, %arg3: memref<160x25x80xi32, #tpu.memory_space<hbm>>, %arg4: memref<160x25x80xi32, #tpu.memory_space<hbm>>, %arg5: memref<160x2000xf32, #tpu.memory_space<hbm>>, %arg6: memref<10000x128xf32, #tpu.memory_space<hbm>>, %arg7: memref<2x10000x128xf32, #tpu.memory_space<hbm>>, %arg8: memref<25x80xi32, #tpu.memory_space<vmem>>, %arg9: memref<25x80xi32, #tpu.memory_space<vmem>>, %arg10: memref<2000xf32, #tpu.memory_space<vmem>>, %arg11: memref<80x128xf32, #tpu.memory_space<vmem>>, %arg12: memref<40x128xf32, #tpu.memory_space<vmem>>, %arg13: memref<10000x128xf32, #tpu.memory_space<vmem_shared>>) attributes {dimension_semantics = [#tpu.dimension_semantics<core_parallel>, #tpu.dimension_semantics<subcore_parallel>], iteration_bounds = array<i64: 2, 16>, scalar_prefetch = 0 : i64, scratch_operands = 6 : i64, tpu.core_type = #tpu.core_type<sc_vector_subcore>, window_params = [{transform_indices = #map}, {transform_indices = #map1}, {transform_indices = #map1}, {transform_indices = #map}, {transform_indices = #map}, {transform_indices = #map1}]} {
    %mul3A = arith.constant 2 : i32
    %mul3A_0 = arith.muli %arg1, %mul3A : i32
    %add3A = arith.addi %mul3A_0, %arg0 : i32
    %mul3A_1 = arith.constant 1000 : i32
    %mul3A_2 = arith.muli %arg1, %mul3A_1 : i32
    %lt3A = arith.constant 10 : i32
    %lt3A_3 = arith.cmpi slt, %arg1, %lt3A : i32
    %convert_element_type3A = arith.extui %lt3A_3 : i1 to i32
    %cond3A = arith.constant 0 : i32
    %cond3A_4 = arith.cmpi ne, %convert_element_type3A, %cond3A : i32
    scf.if %cond3A_4 {
      %scan3A_16 = arith.constant 0 : i32
      %scan3A_17 = arith.constant 0 : i32
      %scan3A_18 = arith.constant 25 : i32
      %scan3A_19 = arith.addi %scan3A_17, %scan3A_18 : i32
      %scan3A_20 = arith.constant 1 : i32
      scf.for %scan3A_22 = %scan3A_17 to %scan3A_19 step %scan3A_20  : i32 {
        %mul3A_23 = arith.constant 40 : i32
        %mul3A_24 = arith.muli %scan3A_22, %mul3A_23 : i32
        %add3A_25 = arith.addi %mul3A_2, %mul3A_24 : i32
        %eq3A = arith.constant 0 : i32
        %eq3A_26 = arith.cmpi eq, %arg0, %eq3A : i32
        %convert_element_type3A_27 = arith.extui %eq3A_26 : i1 to i32
        %cond3A_28 = arith.constant 0 : i32
        %cond3A_29 = arith.cmpi ne, %convert_element_type3A_27, %cond3A_28 : i32
        scf.if %cond3A_29 {
          "tpu.region"() ({
            %run_scoped3A = tpu.sem_alloc : memref<!tpu.dma_semaphore, #tpu.memory_space<semaphore_mem>>
            %dma_start3A = arith.constant 0 : i32
            %dma_start3A_34 = tpu.memref_slice %arg2[%add3A_25, %dma_start3A] : memref<10000x128xf32, #tpu.memory_space<hbm>> -> memref<40x128xf32, #tpu.memory_space<hbm>>
            %dma_start3A_35 = arith.constant 0 : i32
            %dma_start3A_36 = tpu.memref_slice %arg2[%add3A_25, %dma_start3A_35] : memref<10000x128xf32, #tpu.memory_space<hbm>> -> memref<40x128xf32, #tpu.memory_space<hbm>>
            tpu.enqueue_dma source(%dma_start3A_36 : memref<40x128xf32, #tpu.memory_space<hbm>>) target(%arg12 : memref<40x128xf32, #tpu.memory_space<vmem>>) target_semaphore(%run_scoped3A : memref<!tpu.dma_semaphore, #tpu.memory_space<semaphore_mem>>)
            %dma_wait3A = arith.constant 0 : i32
            %dma_wait3A_37 = tpu.memref_slice %arg2[%add3A_25, %dma_wait3A] : memref<10000x128xf32, #tpu.memory_space<hbm>> -> memref<40x128xf32, #tpu.memory_space<hbm>>
            %dma_wait3A_38 = arith.constant 0 : i32
            %dma_wait3A_39 = tpu.memref_slice %arg2[%add3A_25, %dma_wait3A_38] : memref<10000x128xf32, #tpu.memory_space<hbm>> -> memref<40x128xf32, #tpu.memory_space<hbm>>
            tpu.wait_dma2 semaphore(%run_scoped3A : memref<!tpu.dma_semaphore, #tpu.memory_space<semaphore_mem>>) src(%dma_wait3A_39 : memref<40x128xf32, #tpu.memory_space<hbm>>) dst(%arg12 : memref<40x128xf32, #tpu.memory_space<vmem>>)
            tpu.yield
          }) : () -> ()
        } else {
        }
        %ne3A = arith.constant 0 : i32
        %ne3A_30 = arith.cmpi ne, %arg0, %ne3A : i32
        %convert_element_type3A_31 = arith.extui %ne3A_30 : i1 to i32
        %cond3A_32 = arith.constant 0 : i32
        %cond3A_33 = arith.cmpi ne, %convert_element_type3A_31, %cond3A_32 : i32
        scf.if %cond3A_33 {
          "tpu.region"() ({
            %run_scoped3A = tpu.sem_alloc : memref<!tpu.dma_semaphore, #tpu.memory_space<semaphore_mem>>
            %dma_start3A = arith.constant 0 : i32
            %dma_start3A_34 = tpu.memref_slice %arg6[%add3A_25, %dma_start3A] : memref<10000x128xf32, #tpu.memory_space<hbm>> -> memref<40x128xf32, #tpu.memory_space<hbm>>
            %dma_start3A_35 = arith.constant 0 : i32
            %dma_start3A_36 = tpu.memref_slice %arg6[%add3A_25, %dma_start3A_35] : memref<10000x128xf32, #tpu.memory_space<hbm>> -> memref<40x128xf32, #tpu.memory_space<hbm>>
            tpu.enqueue_dma source(%dma_start3A_36 : memref<40x128xf32, #tpu.memory_space<hbm>>) target(%arg12 : memref<40x128xf32, #tpu.memory_space<vmem>>) target_semaphore(%run_scoped3A : memref<!tpu.dma_semaphore, #tpu.memory_space<semaphore_mem>>)
            %dma_wait3A = arith.constant 0 : i32
            %dma_wait3A_37 = tpu.memref_slice %arg6[%add3A_25, %dma_wait3A] : memref<10000x128xf32, #tpu.memory_space<hbm>> -> memref<40x128xf32, #tpu.memory_space<hbm>>
            %dma_wait3A_38 = arith.constant 0 : i32
            %dma_wait3A_39 = tpu.memref_slice %arg6[%add3A_25, %dma_wait3A_38] : memref<10000x128xf32, #tpu.memory_space<hbm>> -> memref<40x128xf32, #tpu.memory_space<hbm>>
            tpu.wait_dma2 semaphore(%run_scoped3A : memref<!tpu.dma_semaphore, #tpu.memory_space<semaphore_mem>>) src(%dma_wait3A_39 : memref<40x128xf32, #tpu.memory_space<hbm>>) dst(%arg12 : memref<40x128xf32, #tpu.memory_space<vmem>>)
            tpu.yield
          }) : () -> ()
        } else {
        }
        "tpu.region"() ({
          %run_scoped3A = tpu.sem_alloc : memref<!tpu.dma_semaphore, #tpu.memory_space<semaphore_mem>>
          %dma_start3A = arith.constant 0 : i32
          %dma_start3A_34 = tpu.memref_slice %arg13[%add3A_25, %dma_start3A] : memref<10000x128xf32, #tpu.memory_space<vmem_shared>> -> memref<40x128xf32, #tpu.memory_space<vmem_shared>>
          %dma_start3A_35 = arith.constant 0 : i32
          %dma_start3A_36 = tpu.memref_slice %arg13[%add3A_25, %dma_start3A_35] : memref<10000x128xf32, #tpu.memory_space<vmem_shared>> -> memref<40x128xf32, #tpu.memory_space<vmem_shared>>
          tpu.enqueue_dma source(%arg12 : memref<40x128xf32, #tpu.memory_space<vmem>>) target(%dma_start3A_36 : memref<40x128xf32, #tpu.memory_space<vmem_shared>>) target_semaphore(%run_scoped3A : memref<!tpu.dma_semaphore, #tpu.memory_space<semaphore_mem>>)
          %dma_wait3A = arith.constant 0 : i32
          %dma_wait3A_37 = tpu.memref_slice %arg13[%add3A_25, %dma_wait3A] : memref<10000x128xf32, #tpu.memory_space<vmem_shared>> -> memref<40x128xf32, #tpu.memory_space<vmem_shared>>
          %dma_wait3A_38 = arith.constant 0 : i32
          %dma_wait3A_39 = tpu.memref_slice %arg13[%add3A_25, %dma_wait3A_38] : memref<10000x128xf32, #tpu.memory_space<vmem_shared>> -> memref<40x128xf32, #tpu.memory_space<vmem_shared>>
          tpu.wait_dma2 semaphore(%run_scoped3A : memref<!tpu.dma_semaphore, #tpu.memory_space<semaphore_mem>>) src(%arg12 : memref<40x128xf32, #tpu.memory_space<vmem>>) dst(%dma_wait3A_39 : memref<40x128xf32, #tpu.memory_space<vmem_shared>>)
          tpu.yield
        }) : () -> ()
      }
      %scan3A_21 = arith.constant 25 : i32
    } else {
    }
    %barrier3A = arith.constant 0 : index
    tpu.barrier barrier_id(%barrier3A)
    %scan3A = arith.constant 0 : i32
    %scan3A_5 = arith.constant 0 : i32
    %scan3A_6 = arith.constant 5 : i32
    %scan3A_7 = arith.addi %scan3A_5, %scan3A_6 : i32
    %scan3A_8 = arith.constant 1 : i32
    scf.for %scan3A_16 = %scan3A_5 to %scan3A_7 step %scan3A_8  : i32 {
      %mul3A_17 = arith.constant 5 : i32
      %mul3A_18 = arith.muli %add3A, %mul3A_17 : i32
      %add3A_19 = arith.addi %mul3A_18, %scan3A_16 : i32
      "tpu.region"() ({
        %run_scoped3A = tpu.sem_alloc : memref<!tpu.dma_semaphore, #tpu.memory_space<semaphore_mem>>
        %dma_start3A = arith.constant 0 : i32
        %dma_start3A_26 = arith.constant 0 : i32
        %dma_start3A_27 = tpu.memref_slice %arg3[%add3A_19, %dma_start3A, %dma_start3A_26] : memref<160x25x80xi32, #tpu.memory_space<hbm>> -> memref<1x25x80xi32, #tpu.memory_space<hbm>>
        %dma_start3A_28 = tpu.memref_squeeze %dma_start3A_27 : memref<1x25x80xi32, #tpu.memory_space<hbm>> -> memref<25x80xi32, #tpu.memory_space<hbm>>
        %dma_start3A_29 = arith.constant 0 : i32
        %dma_start3A_30 = arith.constant 0 : i32
        %dma_start3A_31 = tpu.memref_slice %arg3[%add3A_19, %dma_start3A_29, %dma_start3A_30] : memref<160x25x80xi32, #tpu.memory_space<hbm>> -> memref<1x25x80xi32, #tpu.memory_space<hbm>>
        %dma_start3A_32 = tpu.memref_squeeze %dma_start3A_31 : memref<1x25x80xi32, #tpu.memory_space<hbm>> -> memref<25x80xi32, #tpu.memory_space<hbm>>
        tpu.enqueue_dma source(%dma_start3A_32 : memref<25x80xi32, #tpu.memory_space<hbm>>) target(%arg8 : memref<25x80xi32, #tpu.memory_space<vmem>>) target_semaphore(%run_scoped3A : memref<!tpu.dma_semaphore, #tpu.memory_space<semaphore_mem>>)
        %dma_wait3A = arith.constant 0 : i32
        %dma_wait3A_33 = arith.constant 0 : i32
        %dma_wait3A_34 = tpu.memref_slice %arg3[%add3A_19, %dma_wait3A, %dma_wait3A_33] : memref<160x25x80xi32, #tpu.memory_space<hbm>> -> memref<1x25x80xi32, #tpu.memory_space<hbm>>
        %dma_wait3A_35 = tpu.memref_squeeze %dma_wait3A_34 : memref<1x25x80xi32, #tpu.memory_space<hbm>> -> memref<25x80xi32, #tpu.memory_space<hbm>>
        %dma_wait3A_36 = arith.constant 0 : i32
        %dma_wait3A_37 = arith.constant 0 : i32
        %dma_wait3A_38 = tpu.memref_slice %arg3[%add3A_19, %dma_wait3A_36, %dma_wait3A_37] : memref<160x25x80xi32, #tpu.memory_space<hbm>> -> memref<1x25x80xi32, #tpu.memory_space<hbm>>
        %dma_wait3A_39 = tpu.memref_squeeze %dma_wait3A_38 : memref<1x25x80xi32, #tpu.memory_space<hbm>> -> memref<25x80xi32, #tpu.memory_space<hbm>>
        tpu.wait_dma2 semaphore(%run_scoped3A : memref<!tpu.dma_semaphore, #tpu.memory_space<semaphore_mem>>) src(%dma_wait3A_39 : memref<25x80xi32, #tpu.memory_space<hbm>>) dst(%arg8 : memref<25x80xi32, #tpu.memory_space<vmem>>)
        tpu.yield
      }) : () -> ()
      "tpu.region"() ({
        %run_scoped3A = tpu.sem_alloc : memref<!tpu.dma_semaphore, #tpu.memory_space<semaphore_mem>>
        %dma_start3A = arith.constant 0 : i32
        %dma_start3A_26 = arith.constant 0 : i32
        %dma_start3A_27 = tpu.memref_slice %arg4[%add3A_19, %dma_start3A, %dma_start3A_26] : memref<160x25x80xi32, #tpu.memory_space<hbm>> -> memref<1x25x80xi32, #tpu.memory_space<hbm>>
        %dma_start3A_28 = tpu.memref_squeeze %dma_start3A_27 : memref<1x25x80xi32, #tpu.memory_space<hbm>> -> memref<25x80xi32, #tpu.memory_space<hbm>>
        %dma_start3A_29 = arith.constant 0 : i32
        %dma_start3A_30 = arith.constant 0 : i32
        %dma_start3A_31 = tpu.memref_slice %arg4[%add3A_19, %dma_start3A_29, %dma_start3A_30] : memref<160x25x80xi32, #tpu.memory_space<hbm>> -> memref<1x25x80xi32, #tpu.memory_space<hbm>>
        %dma_start3A_32 = tpu.memref_squeeze %dma_start3A_31 : memref<1x25x80xi32, #tpu.memory_space<hbm>> -> memref<25x80xi32, #tpu.memory_space<hbm>>
        tpu.enqueue_dma source(%dma_start3A_32 : memref<25x80xi32, #tpu.memory_space<hbm>>) target(%arg9 : memref<25x80xi32, #tpu.memory_space<vmem>>) target_semaphore(%run_scoped3A : memref<!tpu.dma_semaphore, #tpu.memory_space<semaphore_mem>>)
        %dma_wait3A = arith.constant 0 : i32
        %dma_wait3A_33 = arith.constant 0 : i32
        %dma_wait3A_34 = tpu.memref_slice %arg4[%add3A_19, %dma_wait3A, %dma_wait3A_33] : memref<160x25x80xi32, #tpu.memory_space<hbm>> -> memref<1x25x80xi32, #tpu.memory_space<hbm>>
        %dma_wait3A_35 = tpu.memref_squeeze %dma_wait3A_34 : memref<1x25x80xi32, #tpu.memory_space<hbm>> -> memref<25x80xi32, #tpu.memory_space<hbm>>
        %dma_wait3A_36 = arith.constant 0 : i32
        %dma_wait3A_37 = arith.constant 0 : i32
        %dma_wait3A_38 = tpu.memref_slice %arg4[%add3A_19, %dma_wait3A_36, %dma_wait3A_37] : memref<160x25x80xi32, #tpu.memory_space<hbm>> -> memref<1x25x80xi32, #tpu.memory_space<hbm>>
        %dma_wait3A_39 = tpu.memref_squeeze %dma_wait3A_38 : memref<1x25x80xi32, #tpu.memory_space<hbm>> -> memref<25x80xi32, #tpu.memory_space<hbm>>
        tpu.wait_dma2 semaphore(%run_scoped3A : memref<!tpu.dma_semaphore, #tpu.memory_space<semaphore_mem>>) src(%dma_wait3A_39 : memref<25x80xi32, #tpu.memory_space<hbm>>) dst(%arg9 : memref<25x80xi32, #tpu.memory_space<vmem>>)
        tpu.yield
      }) : () -> ()
      "tpu.region"() ({
        %run_scoped3A = tpu.sem_alloc : memref<!tpu.dma_semaphore, #tpu.memory_space<semaphore_mem>>
        %dma_start3A = arith.constant 0 : i32
        %dma_start3A_26 = tpu.memref_slice %arg5[%add3A_19, %dma_start3A] : memref<160x2000xf32, #tpu.memory_space<hbm>> -> memref<1x2000xf32, #tpu.memory_space<hbm>>
        %dma_start3A_27 = tpu.memref_squeeze %dma_start3A_26 : memref<1x2000xf32, #tpu.memory_space<hbm>> -> memref<2000xf32, #tpu.memory_space<hbm>>
        %dma_start3A_28 = arith.constant 0 : i32
        %dma_start3A_29 = tpu.memref_slice %arg5[%add3A_19, %dma_start3A_28] : memref<160x2000xf32, #tpu.memory_space<hbm>> -> memref<1x2000xf32, #tpu.memory_space<hbm>>
        %dma_start3A_30 = tpu.memref_squeeze %dma_start3A_29 : memref<1x2000xf32, #tpu.memory_space<hbm>> -> memref<2000xf32, #tpu.memory_space<hbm>>
        tpu.enqueue_dma source(%dma_start3A_30 : memref<2000xf32, #tpu.memory_space<hbm>>) target(%arg10 : memref<2000xf32, #tpu.memory_space<vmem>>) target_semaphore(%run_scoped3A : memref<!tpu.dma_semaphore, #tpu.memory_space<semaphore_mem>>)
        %dma_wait3A = arith.constant 0 : i32
        %dma_wait3A_31 = tpu.memref_slice %arg5[%add3A_19, %dma_wait3A] : memref<160x2000xf32, #tpu.memory_space<hbm>> -> memref<1x2000xf32, #tpu.memory_space<hbm>>
        %dma_wait3A_32 = tpu.memref_squeeze %dma_wait3A_31 : memref<1x2000xf32, #tpu.memory_space<hbm>> -> memref<2000xf32, #tpu.memory_space<hbm>>
        %dma_wait3A_33 = arith.constant 0 : i32
        %dma_wait3A_34 = tpu.memref_slice %arg5[%add3A_19, %dma_wait3A_33] : memref<160x2000xf32, #tpu.memory_space<hbm>> -> memref<1x2000xf32, #tpu.memory_space<hbm>>
        %dma_wait3A_35 = tpu.memref_squeeze %dma_wait3A_34 : memref<1x2000xf32, #tpu.memory_space<hbm>> -> memref<2000xf32, #tpu.memory_space<hbm>>
        tpu.wait_dma2 semaphore(%run_scoped3A : memref<!tpu.dma_semaphore, #tpu.memory_space<semaphore_mem>>) src(%dma_wait3A_35 : memref<2000xf32, #tpu.memory_space<hbm>>) dst(%arg10 : memref<2000xf32, #tpu.memory_space<vmem>>)
        tpu.yield
      }) : () -> ()
      %scan3A_20 = arith.constant 0 : i32
      %scan3A_21 = arith.constant 0 : i32
      %scan3A_22 = arith.constant 25 : i32
      %scan3A_23 = arith.addi %scan3A_21, %scan3A_22 : i32
      %scan3A_24 = arith.constant 1 : i32
      scf.for %scan3A_26 = %scan3A_21 to %scan3A_23 step %scan3A_24  : i32 {
        "tpu.region"() ({
          %run_scoped3A = tpu.sem_alloc : memref<!tpu.dma_semaphore, #tpu.memory_space<semaphore_mem>>
          %dma_start3A = arith.constant 0 : i32
          %dma_start3A_33 = tpu.memref_slice %arg8[%scan3A_26, %dma_start3A] : memref<25x80xi32, #tpu.memory_space<vmem>> -> memref<1x80xi32, #tpu.memory_space<vmem>>
          %dma_start3A_34 = tpu.memref_squeeze %dma_start3A_33 : memref<1x80xi32, #tpu.memory_space<vmem>> -> memref<80xi32, #tpu.memory_space<vmem>>
          %dma_start3A_35 = arith.constant 0 : i32
          %dma_start3A_36 = arith.constant 0 : i32
          %dma_start3A_37 = tpu.memref_slice %arg2[%dma_start3A_35, %dma_start3A_36] : memref<10000x128xf32, #tpu.memory_space<hbm>> -> memref<10000x128xf32, #tpu.memory_space<hbm>>
          tpu.enqueue_indirect_dma source(%dma_start3A_37 : memref<10000x128xf32, #tpu.memory_space<hbm>>) target(%arg11 : memref<80x128xf32, #tpu.memory_space<vmem>>) offsets(%dma_start3A_34 : memref<80xi32, #tpu.memory_space<vmem>>) semaphore(%run_scoped3A : memref<!tpu.dma_semaphore, #tpu.memory_space<semaphore_mem>>)
          %dma_wait3A = arith.constant 0 : i32
          %dma_wait3A_38 = tpu.memref_slice %arg8[%scan3A_26, %dma_wait3A] : memref<25x80xi32, #tpu.memory_space<vmem>> -> memref<1x80xi32, #tpu.memory_space<vmem>>
          %dma_wait3A_39 = tpu.memref_squeeze %dma_wait3A_38 : memref<1x80xi32, #tpu.memory_space<vmem>> -> memref<80xi32, #tpu.memory_space<vmem>>
          %dma_wait3A_40 = arith.constant 0 : i32
          %dma_wait3A_41 = arith.constant 0 : i32
          %dma_wait3A_42 = tpu.memref_slice %arg2[%dma_wait3A_40, %dma_wait3A_41] : memref<10000x128xf32, #tpu.memory_space<hbm>> -> memref<10000x128xf32, #tpu.memory_space<hbm>>
          tpu.wait_indirect_dma semaphore(%run_scoped3A : memref<!tpu.dma_semaphore, #tpu.memory_space<semaphore_mem>>) src(%dma_wait3A_42 : memref<10000x128xf32, #tpu.memory_space<hbm>>) dst(%arg11 : memref<80x128xf32, #tpu.memory_space<vmem>>)
          tpu.yield
        }) : () -> ()
        %scan3A_27 = arith.constant 0 : i32
        %scan3A_28 = arith.constant 0 : i32
        %scan3A_29 = arith.constant 80 : i32
        %scan3A_30 = arith.addi %scan3A_28, %scan3A_29 : i32
        %scan3A_31 = arith.constant 1 : i32
        scf.for %scan3A_33 = %scan3A_28 to %scan3A_30 step %scan3A_31  : i32 {
          %mul3A_34 = arith.constant 80 : i32
          %mul3A_35 = arith.muli %scan3A_26, %mul3A_34 : i32
          %add3A_36 = arith.addi %mul3A_35, %scan3A_33 : i32
          %broadcast_in_dim3A = vector.broadcast %add3A_36 : i32 to vector<16xi32>
          %gather3A = tpu.vector_load_idx %arg10[%broadcast_in_dim3A] : memref<2000xf32, #tpu.memory_space<vmem>>[vector<16xi32>], vector<16xf32>,
          %get3A = arith.index_cast %scan3A_33 : i32 to index
          %get3A_37 = arith.constant 0 : index
          %get3A_38 = tpu.vector_load %arg11[%get3A, %get3A_37] {strides = array<i32>} : memref<80x128xf32, #tpu.memory_space<vmem>>, vector<16xf32>,
          %mul3A_39 = arith.mulf %get3A_38, %gather3A : vector<16xf32>
          %swap3A = arith.index_cast %scan3A_33 : i32 to index
          %swap3A_40 = arith.constant 0 : index
          %swap3A_41 = tpu.vector_load %arg11[%swap3A, %swap3A_40] {strides = array<i32>} : memref<80x128xf32, #tpu.memory_space<vmem>>, vector<16xf32>,
          tpu.vector_store %arg11[%swap3A, %swap3A_40], %mul3A_39 {strides = array<i32>} : memref<80x128xf32, #tpu.memory_space<vmem>>, vector<16xf32>,
          %get3A_42 = arith.index_cast %scan3A_33 : i32 to index
          %get3A_43 = arith.constant 16 : index
          %get3A_44 = tpu.vector_load %arg11[%get3A_42, %get3A_43] {strides = array<i32>} : memref<80x128xf32, #tpu.memory_space<vmem>>, vector<16xf32>,
          %mul3A_45 = arith.mulf %get3A_44, %gather3A : vector<16xf32>
          %swap3A_46 = arith.index_cast %scan3A_33 : i32 to index
          %swap3A_47 = arith.constant 16 : index
          %swap3A_48 = tpu.vector_load %arg11[%swap3A_46, %swap3A_47] {strides = array<i32>} : memref<80x128xf32, #tpu.memory_space<vmem>>, vector<16xf32>,
          tpu.vector_store %arg11[%swap3A_46, %swap3A_47], %mul3A_45 {strides = array<i32>} : memref<80x128xf32, #tpu.memory_space<vmem>>, vector<16xf32>,
          %get3A_49 = arith.index_cast %scan3A_33 : i32 to index
          %get3A_50 = arith.constant 32 : index
          %get3A_51 = tpu.vector_load %arg11[%get3A_49, %get3A_50] {strides = array<i32>} : memref<80x128xf32, #tpu.memory_space<vmem>>, vector<16xf32>,
          %mul3A_52 = arith.mulf %get3A_51, %gather3A : vector<16xf32>
          %swap3A_53 = arith.index_cast %scan3A_33 : i32 to index
          %swap3A_54 = arith.constant 32 : index
          %swap3A_55 = tpu.vector_load %arg11[%swap3A_53, %swap3A_54] {strides = array<i32>} : memref<80x128xf32, #tpu.memory_space<vmem>>, vector<16xf32>,
          tpu.vector_store %arg11[%swap3A_53, %swap3A_54], %mul3A_52 {strides = array<i32>} : memref<80x128xf32, #tpu.memory_space<vmem>>, vector<16xf32>,
          %get3A_56 = arith.index_cast %scan3A_33 : i32 to index
          %get3A_57 = arith.constant 48 : index
          %get3A_58 = tpu.vector_load %arg11[%get3A_56, %get3A_57] {strides = array<i32>} : memref<80x128xf32, #tpu.memory_space<vmem>>, vector<16xf32>,
          %mul3A_59 = arith.mulf %get3A_58, %gather3A : vector<16xf32>
          %swap3A_60 = arith.index_cast %scan3A_33 : i32 to index
          %swap3A_61 = arith.constant 48 : index
          %swap3A_62 = tpu.vector_load %arg11[%swap3A_60, %swap3A_61] {strides = array<i32>} : memref<80x128xf32, #tpu.memory_space<vmem>>, vector<16xf32>,
          tpu.vector_store %arg11[%swap3A_60, %swap3A_61], %mul3A_59 {strides = array<i32>} : memref<80x128xf32, #tpu.memory_space<vmem>>, vector<16xf32>,
          %get3A_63 = arith.index_cast %scan3A_33 : i32 to index
          %get3A_64 = arith.constant 64 : index
          %get3A_65 = tpu.vector_load %arg11[%get3A_63, %get3A_64] {strides = array<i32>} : memref<80x128xf32, #tpu.memory_space<vmem>>, vector<16xf32>,
          %mul3A_66 = arith.mulf %get3A_65, %gather3A : vector<16xf32>
          %swap3A_67 = arith.index_cast %scan3A_33 : i32 to index
          %swap3A_68 = arith.constant 64 : index
          %swap3A_69 = tpu.vector_load %arg11[%swap3A_67, %swap3A_68] {strides = array<i32>} : memref<80x128xf32, #tpu.memory_space<vmem>>, vector<16xf32>,
          tpu.vector_store %arg11[%swap3A_67, %swap3A_68], %mul3A_66 {strides = array<i32>} : memref<80x128xf32, #tpu.memory_space<vmem>>, vector<16xf32>,
          %get3A_70 = arith.index_cast %scan3A_33 : i32 to index
          %get3A_71 = arith.constant 80 : index
          %get3A_72 = tpu.vector_load %arg11[%get3A_70, %get3A_71] {strides = array<i32>} : memref<80x128xf32, #tpu.memory_space<vmem>>, vector<16xf32>,
          %mul3A_73 = arith.mulf %get3A_72, %gather3A : vector<16xf32>
          %swap3A_74 = arith.index_cast %scan3A_33 : i32 to index
          %swap3A_75 = arith.constant 80 : index
          %swap3A_76 = tpu.vector_load %arg11[%swap3A_74, %swap3A_75] {strides = array<i32>} : memref<80x128xf32, #tpu.memory_space<vmem>>, vector<16xf32>,
          tpu.vector_store %arg11[%swap3A_74, %swap3A_75], %mul3A_73 {strides = array<i32>} : memref<80x128xf32, #tpu.memory_space<vmem>>, vector<16xf32>,
          %get3A_77 = arith.index_cast %scan3A_33 : i32 to index
          %get3A_78 = arith.constant 96 : index
          %get3A_79 = tpu.vector_load %arg11[%get3A_77, %get3A_78] {strides = array<i32>} : memref<80x128xf32, #tpu.memory_space<vmem>>, vector<16xf32>,
          %mul3A_80 = arith.mulf %get3A_79, %gather3A : vector<16xf32>
          %swap3A_81 = arith.index_cast %scan3A_33 : i32 to index
          %swap3A_82 = arith.constant 96 : index
          %swap3A_83 = tpu.vector_load %arg11[%swap3A_81, %swap3A_82] {strides = array<i32>} : memref<80x128xf32, #tpu.memory_space<vmem>>, vector<16xf32>,
          tpu.vector_store %arg11[%swap3A_81, %swap3A_82], %mul3A_80 {strides = array<i32>} : memref<80x128xf32, #tpu.memory_space<vmem>>, vector<16xf32>,
          %get3A_84 = arith.index_cast %scan3A_33 : i32 to index
          %get3A_85 = arith.constant 112 : index
          %get3A_86 = tpu.vector_load %arg11[%get3A_84, %get3A_85] {strides = array<i32>} : memref<80x128xf32, #tpu.memory_space<vmem>>, vector<16xf32>,
          %mul3A_87 = arith.mulf %get3A_86, %gather3A : vector<16xf32>
          %swap3A_88 = arith.index_cast %scan3A_33 : i32 to index
          %swap3A_89 = arith.constant 112 : index
          %swap3A_90 = tpu.vector_load %arg11[%swap3A_88, %swap3A_89] {strides = array<i32>} : memref<80x128xf32, #tpu.memory_space<vmem>>, vector<16xf32>,
          tpu.vector_store %arg11[%swap3A_88, %swap3A_89], %mul3A_87 {strides = array<i32>} : memref<80x128xf32, #tpu.memory_space<vmem>>, vector<16xf32>,
        }
        %scan3A_32 = arith.constant 80 : i32
        "tpu.region"() ({
          %run_scoped3A = tpu.sem_alloc : memref<!tpu.dma_semaphore, #tpu.memory_space<semaphore_mem>>
          %dma_start3A = arith.constant 0 : i32
          %dma_start3A_33 = tpu.memref_slice %arg9[%scan3A_26, %dma_start3A] : memref<25x80xi32, #tpu.memory_space<vmem>> -> memref<1x80xi32, #tpu.memory_space<vmem>>
          %dma_start3A_34 = tpu.memref_squeeze %dma_start3A_33 : memref<1x80xi32, #tpu.memory_space<vmem>> -> memref<80xi32, #tpu.memory_space<vmem>>
          %dma_start3A_35 = arith.constant 0 : i32
          %dma_start3A_36 = arith.constant 0 : i32
          %dma_start3A_37 = tpu.memref_slice %arg13[%dma_start3A_35, %dma_start3A_36] : memref<10000x128xf32, #tpu.memory_space<vmem_shared>> -> memref<10000x128xf32, #tpu.memory_space<vmem_shared>>
          tpu.enqueue_indirect_dma source(%arg11 : memref<80x128xf32, #tpu.memory_space<vmem>>) target(%dma_start3A_37 : memref<10000x128xf32, #tpu.memory_space<vmem_shared>>) offsets(%dma_start3A_34 : memref<80xi32, #tpu.memory_space<vmem>>) semaphore(%run_scoped3A : memref<!tpu.dma_semaphore, #tpu.memory_space<semaphore_mem>>) {add = true}
          %dma_wait3A = arith.constant 0 : i32
          %dma_wait3A_38 = tpu.memref_slice %arg9[%scan3A_26, %dma_wait3A] : memref<25x80xi32, #tpu.memory_space<vmem>> -> memref<1x80xi32, #tpu.memory_space<vmem>>
          %dma_wait3A_39 = tpu.memref_squeeze %dma_wait3A_38 : memref<1x80xi32, #tpu.memory_space<vmem>> -> memref<80xi32, #tpu.memory_space<vmem>>
          %dma_wait3A_40 = arith.constant 0 : i32
          %dma_wait3A_41 = arith.constant 0 : i32
          %dma_wait3A_42 = tpu.memref_slice %arg13[%dma_wait3A_40, %dma_wait3A_41] : memref<10000x128xf32, #tpu.memory_space<vmem_shared>> -> memref<10000x128xf32, #tpu.memory_space<vmem_shared>>
          tpu.wait_indirect_dma semaphore(%run_scoped3A : memref<!tpu.dma_semaphore, #tpu.memory_space<semaphore_mem>>) src(%arg11 : memref<80x128xf32, #tpu.memory_space<vmem>>) dst(%dma_wait3A_42 : memref<10000x128xf32, #tpu.memory_space<vmem_shared>>)
          tpu.yield
        }) : () -> ()
      }
      %scan3A_25 = arith.constant 25 : i32
    }
    %scan3A_9 = arith.constant 5 : i32
    %barrier3A_10 = arith.constant 0 : index
    tpu.barrier barrier_id(%barrier3A_10)
    %lt3A_11 = arith.constant 10 : i32
    %lt3A_12 = arith.cmpi slt, %arg1, %lt3A_11 : i32
    %convert_element_type3A_13 = arith.extui %lt3A_12 : i1 to i32
    %cond3A_14 = arith.constant 0 : i32
    %cond3A_15 = arith.cmpi ne, %convert_element_type3A_13, %cond3A_14 : i32
    scf.if %cond3A_15 {
      %scan3A_16 = arith.constant 0 : i32
      %scan3A_17 = arith.constant 0 : i32
      %scan3A_18 = arith.constant 25 : i32
      %scan3A_19 = arith.addi %scan3A_17, %scan3A_18 : i32
      %scan3A_20 = arith.constant 1 : i32
      scf.for %scan3A_22 = %scan3A_17 to %scan3A_19 step %scan3A_20  : i32 {
        %mul3A_23 = arith.constant 40 : i32
        %mul3A_24 = arith.muli %scan3A_22, %mul3A_23 : i32
        %add3A_25 = arith.addi %mul3A_2, %mul3A_24 : i32
        "tpu.region"() ({
          %run_scoped3A = tpu.sem_alloc : memref<!tpu.dma_semaphore, #tpu.memory_space<semaphore_mem>>
          %dma_start3A = arith.constant 0 : i32
          %dma_start3A_26 = tpu.memref_slice %arg13[%add3A_25, %dma_start3A] : memref<10000x128xf32, #tpu.memory_space<vmem_shared>> -> memref<40x128xf32, #tpu.memory_space<vmem_shared>>
          %dma_start3A_27 = arith.constant 0 : i32
          %dma_start3A_28 = tpu.memref_slice %arg13[%add3A_25, %dma_start3A_27] : memref<10000x128xf32, #tpu.memory_space<vmem_shared>> -> memref<40x128xf32, #tpu.memory_space<vmem_shared>>
          tpu.enqueue_dma source(%dma_start3A_28 : memref<40x128xf32, #tpu.memory_space<vmem_shared>>) target(%arg12 : memref<40x128xf32, #tpu.memory_space<vmem>>) target_semaphore(%run_scoped3A : memref<!tpu.dma_semaphore, #tpu.memory_space<semaphore_mem>>)
          %dma_wait3A = arith.constant 0 : i32
          %dma_wait3A_29 = tpu.memref_slice %arg13[%add3A_25, %dma_wait3A] : memref<10000x128xf32, #tpu.memory_space<vmem_shared>> -> memref<40x128xf32, #tpu.memory_space<vmem_shared>>
          %dma_wait3A_30 = arith.constant 0 : i32
          %dma_wait3A_31 = tpu.memref_slice %arg13[%add3A_25, %dma_wait3A_30] : memref<10000x128xf32, #tpu.memory_space<vmem_shared>> -> memref<40x128xf32, #tpu.memory_space<vmem_shared>>
          tpu.wait_dma2 semaphore(%run_scoped3A : memref<!tpu.dma_semaphore, #tpu.memory_space<semaphore_mem>>) src(%dma_wait3A_31 : memref<40x128xf32, #tpu.memory_space<vmem_shared>>) dst(%arg12 : memref<40x128xf32, #tpu.memory_space<vmem>>)
          tpu.yield
        }) : () -> ()
        "tpu.region"() ({
          %run_scoped3A = tpu.sem_alloc : memref<!tpu.dma_semaphore, #tpu.memory_space<semaphore_mem>>
          %dma_start3A = arith.constant 0 : i32
          %dma_start3A_26 = tpu.memref_slice %arg7[%arg0, %add3A_25, %dma_start3A] : memref<2x10000x128xf32, #tpu.memory_space<hbm>> -> memref<1x40x128xf32, #tpu.memory_space<hbm>>
          %dma_start3A_27 = tpu.memref_squeeze %dma_start3A_26 : memref<1x40x128xf32, #tpu.memory_space<hbm>> -> memref<40x128xf32, #tpu.memory_space<hbm>>
          %dma_start3A_28 = arith.constant 0 : i32
          %dma_start3A_29 = tpu.memref_slice %arg7[%arg0, %add3A_25, %dma_start3A_28] : memref<2x10000x128xf32, #tpu.memory_space<hbm>> -> memref<1x40x128xf32, #tpu.memory_space<hbm>>
          %dma_start3A_30 = tpu.memref_squeeze %dma_start3A_29 : memref<1x40x128xf32, #tpu.memory_space<hbm>> -> memref<40x128xf32, #tpu.memory_space<hbm>>
          tpu.enqueue_dma source(%arg12 : memref<40x128xf32, #tpu.memory_space<vmem>>) target(%dma_start3A_30 : memref<40x128xf32, #tpu.memory_space<hbm>>) target_semaphore(%run_scoped3A : memref<!tpu.dma_semaphore, #tpu.memory_space<semaphore_mem>>)
          %dma_wait3A = arith.constant 0 : i32
          %dma_wait3A_31 = tpu.memref_slice %arg7[%arg0, %add3A_25, %dma_wait3A] : memref<2x10000x128xf32, #tpu.memory_space<hbm>> -> memref<1x40x128xf32, #tpu.memory_space<hbm>>
          %dma_wait3A_32 = tpu.memref_squeeze %dma_wait3A_31 : memref<1x40x128xf32, #tpu.memory_space<hbm>> -> memref<40x128xf32, #tpu.memory_space<hbm>>
          %dma_wait3A_33 = arith.constant 0 : i32
          %dma_wait3A_34 = tpu.memref_slice %arg7[%arg0, %add3A_25, %dma_wait3A_33] : memref<2x10000x128xf32, #tpu.memory_space<hbm>> -> memref<1x40x128xf32, #tpu.memory_space<hbm>>
          %dma_wait3A_35 = tpu.memref_squeeze %dma_wait3A_34 : memref<1x40x128xf32, #tpu.memory_space<hbm>> -> memref<40x128xf32, #tpu.memory_space<hbm>>
          tpu.wait_dma2 semaphore(%run_scoped3A : memref<!tpu.dma_semaphore, #tpu.memory_space<semaphore_mem>>) src(%arg12 : memref<40x128xf32, #tpu.memory_space<vmem>>) dst(%dma_wait3A_35 : memref<40x128xf32, #tpu.memory_space<hbm>>)
          tpu.yield
        }) : () -> ()
      }
      %scan3A_21 = arith.constant 25 : i32
    } else {
    }
    return
  }
}

module attributes {stable_mosaic.version = 14 : i64} {
  func.func @body(%arg0: i32, %arg1: memref<1000x128xf32, #tpu.memory_space<vmem>>, %arg2: memref<128x128xf32, #tpu.memory_space<vmem>>, %arg3: memref<2x1000x1xf32, #tpu.memory_space<vmem>>, %arg4: memref<1000x128xf32, #tpu.memory_space<vmem>>, %arg5: memref<1000x1xf32, #tpu.memory_space<vmem>>) attributes {dimension_semantics = [#tpu.dimension_semantics<arbitrary>], iteration_bounds = array<i64: 10>, scalar_prefetch = 0 : i64, scratch_operands = 0 : i64, tpu.core_type = #tpu.core_type<tc>, window_params = [{transform_indices = @transform_0, window_bounds = array<i64: 1000, 128>}, {pipeline_mode = #tpu.pipeline_mode<synchronous>, transform_indices = @transform_1, window_bounds = array<i64: 128, 128>}, {transform_indices = @transform_2, window_bounds = array<i64: 2, 1000, 1>}, {transform_indices = @transform_3, window_bounds = array<i64: 1000, 128>}, {transform_indices = @transform_4, window_bounds = array<i64: 1000, 1>}]} {
    %get3A = arith.constant 0 : index
    %get3A_0 = arith.constant 0 : index
    %get3A_1 = arith.constant 0 : index
    %get3A_2 = vector.load %arg3[%get3A, %get3A_0, %get3A_1] : memref<2x1000x1xf32, #tpu.memory_space<vmem>>, vector<1x1000x1xf32>
    %get3A_3 = vector.shape_cast %get3A_2 : vector<1x1000x1xf32> to vector<1000x1xf32>
    %get3A_4 = arith.constant 1 : index
    %get3A_5 = arith.constant 0 : index
    %get3A_6 = arith.constant 0 : index
    %get3A_7 = vector.load %arg3[%get3A_4, %get3A_5, %get3A_6] : memref<2x1000x1xf32, #tpu.memory_space<vmem>>, vector<1x1000x1xf32>
    %get3A_8 = vector.shape_cast %get3A_7 : vector<1x1000x1xf32> to vector<1000x1xf32>
    %add3A = arith.addf %get3A_3, %get3A_8 : vector<1000x1xf32>
    %add3A_9 = arith.constant 1.000000e+00 : f32
    %add3A_10 = vector.broadcast %add3A_9 : f32 to vector<1000x1xf32>
    %add3A_11 = arith.addf %add3A, %add3A_10 : vector<1000x1xf32>
    %gt3A = arith.constant 0.000000e+00 : f32
    %gt3A_12 = vector.broadcast %gt3A : f32 to vector<1000x1xf32>
    %gt3A_13 = arith.cmpf ogt, %add3A_11, %gt3A_12 : vector<1000x1xf32>
    %max3A = arith.constant 9.99999996E-13 : f32
    %max3A_14 = vector.broadcast %max3A : f32 to vector<1000x1xf32>
    %max3A_15 = arith.maximumf %add3A_11, %max3A_14 : vector<1000x1xf32>
    %rsqrt3A = math.rsqrt %max3A_15 : vector<1000x1xf32>
    %jit3A = arith.constant 0.000000e+00 : f32
    %broadcast_in_dim3A = vector.broadcast %jit3A : f32 to vector<1000x1xf32>
    %select_n3A = arith.select %gt3A_13, %rsqrt3A, %broadcast_in_dim3A : vector<1000x1xi1>, vector<1000x1xf32>
    %swap3A = arith.constant 0 : index
    %swap3A_16 = arith.constant 0 : index
    %swap3A_17 = vector.load %arg5[%swap3A, %swap3A_16] : memref<1000x1xf32, #tpu.memory_space<vmem>>, vector<1000x1xf32>
    tpu.vector_store %arg5[%swap3A, %swap3A_16], %select_n3A {strides = array<i32>} : memref<1000x1xf32, #tpu.memory_space<vmem>>, vector<1000x1xf32>,
    %get3A_18 = arith.constant 0 : index
    %get3A_19 = arith.constant 0 : index
    %get3A_20 = vector.load %arg1[%get3A_18, %get3A_19] : memref<1000x128xf32, #tpu.memory_space<vmem>>, vector<1000x128xf32>
    %get3A_21 = arith.constant 0 : index
    %get3A_22 = arith.constant 0 : index
    %get3A_23 = vector.load %arg2[%get3A_21, %get3A_22] : memref<128x128xf32, #tpu.memory_space<vmem>>, vector<128x128xf32>
    %dot_general3A = arith.constant dense<0.000000e+00> : vector<1000x128xf32>
    %dot_general3A_24 = tpu.matmul %get3A_20, %get3A_23, %dot_general3A {dimension_numbers = #tpu.dot_dimension_numbers<[1], [0], [0], [1], [0, 0, 1, 1], [], []>, transpose_lhs_hint = false} : vector<1000x128xf32>, vector<128x128xf32>, vector<1000x128xf32> -> vector<1000x128xf32>
    %mul3A = vector.broadcast %select_n3A : vector<1000x1xf32> to vector<1000x128xf32>
    %mul3A_25 = arith.mulf %dot_general3A_24, %mul3A : vector<1000x128xf32>
    %swap3A_26 = arith.constant 0 : index
    %swap3A_27 = arith.constant 0 : index
    %swap3A_28 = vector.load %arg4[%swap3A_26, %swap3A_27] : memref<1000x128xf32, #tpu.memory_space<vmem>>, vector<1000x128xf32>
    tpu.vector_store %arg4[%swap3A_26, %swap3A_27], %mul3A_25 {strides = array<i32>} : memref<1000x128xf32, #tpu.memory_space<vmem>>, vector<1000x128xf32>,
    return
  }
  func.func @transform_0(%arg0: i32) -> (i32, i32) {
    %c0_i32 = arith.constant 0 : i32
    %c0_i32_0 = arith.constant 0 : i32
    return %arg0, %c0_i32 : i32, i32
  }
  func.func @transform_1(%arg0: i32) -> (i32, i32) {
    %c0_i32 = arith.constant 0 : i32
    %c0_i32_0 = arith.constant 0 : i32
    %c0_i32_1 = arith.constant 0 : i32
    return %c0_i32, %c0_i32_0 : i32, i32
  }
  func.func @transform_2(%arg0: i32) -> (i32, i32, i32) {
    %c0_i32 = arith.constant 0 : i32
    %c0_i32_0 = arith.constant 0 : i32
    %c0_i32_1 = arith.constant 0 : i32
    return %c0_i32, %arg0, %c0_i32_0 : i32, i32, i32
  }
  func.func @transform_3(%arg0: i32) -> (i32, i32) {
    %c0_i32 = arith.constant 0 : i32
    %c0_i32_0 = arith.constant 0 : i32
    return %arg0, %c0_i32 : i32, i32
  }
  func.func @transform_4(%arg0: i32) -> (i32, i32) {
    %c0_i32 = arith.constant 0 : i32
    %c0_i32_0 = arith.constant 0 : i32
    return %arg0, %c0_i32 : i32, i32
  }
}

module attributes {stable_mosaic.version = 14 : i64} {
  func.func @body(%arg0: i32, %arg1: memref<2x1000x128xf32, #tpu.memory_space<vmem>>, %arg2: memref<1000x1xf32, #tpu.memory_space<vmem>>, %arg3: memref<1x128xf32, #tpu.memory_space<vmem>>, %arg4: memref<128x128xf32, #tpu.memory_space<vmem>>, %arg5: memref<1000x128xf32, #tpu.memory_space<vmem>>) attributes {dimension_semantics = [#tpu.dimension_semantics<arbitrary>], iteration_bounds = array<i64: 10>, scalar_prefetch = 0 : i64, scratch_operands = 0 : i64, tpu.core_type = #tpu.core_type<tc>, window_params = [{transform_indices = @transform_0, window_bounds = array<i64: 2, 1000, 128>}, {transform_indices = @transform_1, window_bounds = array<i64: 1000, 1>}, {pipeline_mode = #tpu.pipeline_mode<synchronous>, transform_indices = @transform_2, window_bounds = array<i64: 1, 128>}, {pipeline_mode = #tpu.pipeline_mode<synchronous>, transform_indices = @transform_3, window_bounds = array<i64: 128, 128>}, {transform_indices = @transform_4, window_bounds = array<i64: 1000, 128>}]} {
    %get3A = arith.constant 0 : index
    %get3A_0 = arith.constant 0 : index
    %get3A_1 = vector.load %arg2[%get3A, %get3A_0] : memref<1000x1xf32, #tpu.memory_space<vmem>>, vector<1000x1xf32>
    %get3A_2 = arith.constant 0 : index
    %get3A_3 = arith.constant 0 : index
    %get3A_4 = arith.constant 0 : index
    %get3A_5 = vector.load %arg1[%get3A_2, %get3A_3, %get3A_4] : memref<2x1000x128xf32, #tpu.memory_space<vmem>>, vector<1x1000x128xf32>
    %get3A_6 = vector.shape_cast %get3A_5 : vector<1x1000x128xf32> to vector<1000x128xf32>
    %get3A_7 = arith.constant 1 : index
    %get3A_8 = arith.constant 0 : index
    %get3A_9 = arith.constant 0 : index
    %get3A_10 = vector.load %arg1[%get3A_7, %get3A_8, %get3A_9] : memref<2x1000x128xf32, #tpu.memory_space<vmem>>, vector<1x1000x128xf32>
    %get3A_11 = vector.shape_cast %get3A_10 : vector<1x1000x128xf32> to vector<1000x128xf32>
    %add3A = arith.addf %get3A_6, %get3A_11 : vector<1000x128xf32>
    %mul3A = vector.broadcast %get3A_1 : vector<1000x1xf32> to vector<1000x128xf32>
    %mul3A_12 = arith.mulf %mul3A, %add3A : vector<1000x128xf32>
    %get3A_13 = arith.constant 0 : index
    %get3A_14 = arith.constant 0 : index
    %get3A_15 = vector.load %arg3[%get3A_13, %get3A_14] : memref<1x128xf32, #tpu.memory_space<vmem>>, vector<1x128xf32>
    %add3A_16 = vector.broadcast %get3A_15 : vector<1x128xf32> to vector<1000x128xf32>
    %add3A_17 = arith.addf %mul3A_12, %add3A_16 : vector<1000x128xf32>
    %max3A = arith.constant 0.000000e+00 : f32
    %max3A_18 = vector.broadcast %max3A : f32 to vector<1000x128xf32>
    %max3A_19 = arith.maximumf %add3A_17, %max3A_18 : vector<1000x128xf32>
    %get3A_20 = arith.constant 0 : index
    %get3A_21 = arith.constant 0 : index
    %get3A_22 = vector.load %arg4[%get3A_20, %get3A_21] : memref<128x128xf32, #tpu.memory_space<vmem>>, vector<128x128xf32>
    %dot_general3A = arith.constant dense<0.000000e+00> : vector<1000x128xf32>
    %dot_general3A_23 = tpu.matmul %max3A_19, %get3A_22, %dot_general3A {dimension_numbers = #tpu.dot_dimension_numbers<[1], [0], [0], [1], [0, 0, 1, 1], [], []>, transpose_lhs_hint = false} : vector<1000x128xf32>, vector<128x128xf32>, vector<1000x128xf32> -> vector<1000x128xf32>
    %get3A_24 = arith.constant 0 : index
    %get3A_25 = arith.constant 0 : index
    %get3A_26 = vector.load %arg2[%get3A_24, %get3A_25] : memref<1000x1xf32, #tpu.memory_space<vmem>>, vector<1000x1xf32>
    %mul3A_27 = vector.broadcast %get3A_26 : vector<1000x1xf32> to vector<1000x128xf32>
    %mul3A_28 = arith.mulf %dot_general3A_23, %mul3A_27 : vector<1000x128xf32>
    %swap3A = arith.constant 0 : index
    %swap3A_29 = arith.constant 0 : index
    %swap3A_30 = vector.load %arg5[%swap3A, %swap3A_29] : memref<1000x128xf32, #tpu.memory_space<vmem>>, vector<1000x128xf32>
    tpu.vector_store %arg5[%swap3A, %swap3A_29], %mul3A_28 {strides = array<i32>} : memref<1000x128xf32, #tpu.memory_space<vmem>>, vector<1000x128xf32>,
    return
  }
  func.func @transform_0(%arg0: i32) -> (i32, i32, i32) {
    %c0_i32 = arith.constant 0 : i32
    %c0_i32_0 = arith.constant 0 : i32
    %c0_i32_1 = arith.constant 0 : i32
    return %c0_i32, %arg0, %c0_i32_0 : i32, i32, i32
  }
  func.func @transform_1(%arg0: i32) -> (i32, i32) {
    %c0_i32 = arith.constant 0 : i32
    %c0_i32_0 = arith.constant 0 : i32
    return %arg0, %c0_i32 : i32, i32
  }
  func.func @transform_2(%arg0: i32) -> (i32, i32) {
    %c0_i32 = arith.constant 0 : i32
    %c0_i32_0 = arith.constant 0 : i32
    %c0_i32_1 = arith.constant 0 : i32
    return %c0_i32, %c0_i32_0 : i32, i32
  }
  func.func @transform_3(%arg0: i32) -> (i32, i32) {
    %c0_i32 = arith.constant 0 : i32
    %c0_i32_0 = arith.constant 0 : i32
    %c0_i32_1 = arith.constant 0 : i32
    return %c0_i32, %c0_i32_0 : i32, i32
  }
  func.func @transform_4(%arg0: i32) -> (i32, i32) {
    %c0_i32 = arith.constant 0 : i32
    %c0_i32_0 = arith.constant 0 : i32
    return %arg0, %c0_i32 : i32, i32
  }
}

module attributes {stable_mosaic.version = 14 : i64} {
  func.func @body(%arg0: i32, %arg1: memref<2x1000x128xf32, #tpu.memory_space<vmem>>, %arg2: memref<1000x1xf32, #tpu.memory_space<vmem>>, %arg3: memref<1x128xf32, #tpu.memory_space<vmem>>, %arg4: memref<1000x128xf32, #tpu.memory_space<vmem>>) attributes {dimension_semantics = [#tpu.dimension_semantics<arbitrary>], iteration_bounds = array<i64: 10>, scalar_prefetch = 0 : i64, scratch_operands = 0 : i64, tpu.core_type = #tpu.core_type<tc>, window_params = [{transform_indices = @transform_0, window_bounds = array<i64: 2, 1000, 128>}, {transform_indices = @transform_1, window_bounds = array<i64: 1000, 1>}, {pipeline_mode = #tpu.pipeline_mode<synchronous>, transform_indices = @transform_2, window_bounds = array<i64: 1, 128>}, {transform_indices = @transform_3, window_bounds = array<i64: 1000, 128>}]} {
    %get3A = arith.constant 0 : index
    %get3A_0 = arith.constant 0 : index
    %get3A_1 = vector.load %arg2[%get3A, %get3A_0] : memref<1000x1xf32, #tpu.memory_space<vmem>>, vector<1000x1xf32>
    %get3A_2 = arith.constant 0 : index
    %get3A_3 = arith.constant 0 : index
    %get3A_4 = arith.constant 0 : index
    %get3A_5 = vector.load %arg1[%get3A_2, %get3A_3, %get3A_4] : memref<2x1000x128xf32, #tpu.memory_space<vmem>>, vector<1x1000x128xf32>
    %get3A_6 = vector.shape_cast %get3A_5 : vector<1x1000x128xf32> to vector<1000x128xf32>
    %get3A_7 = arith.constant 1 : index
    %get3A_8 = arith.constant 0 : index
    %get3A_9 = arith.constant 0 : index
    %get3A_10 = vector.load %arg1[%get3A_7, %get3A_8, %get3A_9] : memref<2x1000x128xf32, #tpu.memory_space<vmem>>, vector<1x1000x128xf32>
    %get3A_11 = vector.shape_cast %get3A_10 : vector<1x1000x128xf32> to vector<1000x128xf32>
    %add3A = arith.addf %get3A_6, %get3A_11 : vector<1000x128xf32>
    %mul3A = vector.broadcast %get3A_1 : vector<1000x1xf32> to vector<1000x128xf32>
    %mul3A_12 = arith.mulf %mul3A, %add3A : vector<1000x128xf32>
    %get3A_13 = arith.constant 0 : index
    %get3A_14 = arith.constant 0 : index
    %get3A_15 = vector.load %arg3[%get3A_13, %get3A_14] : memref<1x128xf32, #tpu.memory_space<vmem>>, vector<1x128xf32>
    %add3A_16 = vector.broadcast %get3A_15 : vector<1x128xf32> to vector<1000x128xf32>
    %add3A_17 = arith.addf %mul3A_12, %add3A_16 : vector<1000x128xf32>
    %max3A = arith.constant 0.000000e+00 : f32
    %max3A_18 = vector.broadcast %max3A : f32 to vector<1000x128xf32>
    %max3A_19 = arith.maximumf %add3A_17, %max3A_18 : vector<1000x128xf32>
    %swap3A = arith.constant 0 : index
    %swap3A_20 = arith.constant 0 : index
    %swap3A_21 = vector.load %arg4[%swap3A, %swap3A_20] : memref<1000x128xf32, #tpu.memory_space<vmem>>, vector<1000x128xf32>
    tpu.vector_store %arg4[%swap3A, %swap3A_20], %max3A_19 {strides = array<i32>} : memref<1000x128xf32, #tpu.memory_space<vmem>>, vector<1000x128xf32>,
    return
  }
  func.func @transform_0(%arg0: i32) -> (i32, i32, i32) {
    %c0_i32 = arith.constant 0 : i32
    %c0_i32_0 = arith.constant 0 : i32
    %c0_i32_1 = arith.constant 0 : i32
    return %c0_i32, %arg0, %c0_i32_0 : i32, i32, i32
  }
  func.func @transform_1(%arg0: i32) -> (i32, i32) {
    %c0_i32 = arith.constant 0 : i32
    %c0_i32_0 = arith.constant 0 : i32
    return %arg0, %c0_i32 : i32, i32
  }
  func.func @transform_2(%arg0: i32) -> (i32, i32) {
    %c0_i32 = arith.constant 0 : i32
    %c0_i32_0 = arith.constant 0 : i32
    %c0_i32_1 = arith.constant 0 : i32
    return %c0_i32, %c0_i32_0 : i32, i32
  }
  func.func @transform_3(%arg0: i32) -> (i32, i32) {
    %c0_i32 = arith.constant 0 : i32
    %c0_i32_0 = arith.constant 0 : i32
    return %arg0, %c0_i32 : i32, i32
  }
}

</mosaic_0001>

<sc_bundles>
// kernel: kernel.11.cloned.1.call-start
scs
__scs_entry_jumppad:
0x0: {  	(pc) =	sbr.rel $0x88, $3  }
0x1: {  	(tag) =	ssettag $0x0;
	lr =	simm.s32 $0x1  }
0x2: {  	[smem:$0x3F9A] =	sst lr;
	_ =	strace $0xD0000000  }
0x3: {  	_ = 	snop  }
0x4: {  	_ = 	snop  }
0x5: {  	_ = 	snop  }
0x6: {  	_ = 	snop  }
0x7: {  	_ = 	snop  }
__scs_overlays_trampoline_lowered:
0x8: {  	[smem:$0x3FA9] =	sst s0  }
0x9: {  	[smem:$0x3FAA] =	sst s1  }
0xa: {  	[smem:$0x3FAB] =	sst s2  }
0xb: {  	[smem:$0x3FAC] =	sst s3  }
0xc: {  	[smem:$0x3FAD] =	sst s4  }
0xd: {  	[smem:$0x3FAE] =	sst s5  }
0xe: {  	[smem:$0x3FAF] =	sst s6  }
0xf: {  	[smem:$0x3FB0] =	sst s7  }
0x10: {  	[smem:$0x3FB1] =	sst s8  }
0x11: {  	[smem:$0x3FB2] =	sst s9;
	s0 =	simm.s32 @!p0 $0x0  }
0x12: {  	s1 =	sld [smem:$0x3F98];
	s0 =	simm.s32 @p0 $0x1  }
0x13: {  	[smem:$0x3FB3] =	sst s0;
	s0 =	simm.s32 @!p1 $0x0  }
0x14: {  	s2 =	sld [smem:$0x3F97];
	s0 =	simm.s32 @p1 $0x1  }
0x15: {  	[smem:$0x3FB4] =	sst s0;
	s0 =	simm.s32 @!p2 $0x0  }
0x16: {  	s3 =	sld [smem:$0x3FDB];
	s0 =	simm.s32 @p2 $0x1  }
0x17: {  	s4 =	simm.s32 $0x1BF5;
	[smem:$0x3FB6] =	sst s0  }
0x18: {  	s0 =	sld [smem:$0x3F99];
	_ =	swait.ge [sflag:s4], $0x0  }
0x19: {  	s7 =	sld [smem:$0x3F9A]  }
0x1a: {  	s8 =	sadd.s32 $0xFFFFE003, lr  }
0x1b: {  	s9 =	sadd.s32 $0xFFFFFEF7, lr;
	s5 =	simm.s32 $0xFFFFFFFF;
	p2 =	slt.u32 s8, $0xFFFFF086  }
0x1c: {  	p1 =	slt.u32 s9, $0xF7A;
	s5 =	simm.s32 @!p2 $0x0  }
0x1d: {  	s5 =	simm.s32 @p1 $0x1;
	p0 =	seq.s32 s7, s2  }
0x1e: {  	s7 =	smul.u32 @!p0 $0xF7A, s2;
	p2 =	seq.s32 @!p0 s5, $0x0  }
0x1f: {  	s9 =	smul.u32 $0xF7A, s1;
	s8 =	simm.s32 @!p0 $0x1BF5;
	p2 =	por !p2, p0  }
0x20: {  	[sflag:s8] =	ssyncset.s32 @!p0 $0xFFFFF086;
	s6 =	sadd.s32 @!p0 s3, s7;
	s7 =	simm.s32 @!p0 $0x108  }
0x21: {  	s3 =	sadd.s32 s3, s9;
	s6 =	sadd.s32 @!p0 $0x88, s6;
	s7 =	simm.s32 @p2 $0x1082  }
0x22: {  	[simem:s7], [sflag:s8] =	dma.local @!p0 [hbm:s6], $0xF7A  }
0x23: {  	s9 =	sor.u32 $0xD0000000, s2;
	s6 =	simm.s32 $0x108;
	_ =	swait.ge @!p0 [sflag:s8], $0x0  }
0x24: {  	s3 =	sadd.s32 $0x88, s3;
	s6 =	simm.s32 @!p1 $0x1082;
	[sflag:s4] =	ssyncset.s32 $0xFFFFF086  }
0x25: {  	[simem:s6], [sflag:s4] =	dma.local [hbm:s3], $0xF7A  }
0x26: {  	[smem:$0x3F9A] =	sst s1;
	(tag) =	ssettag s2;
	_ =	strace s9  }
0x27: {  	s1 =	sld [smem:$0x3FAA]  }
0x28: {  	s2 =	sld [smem:$0x3FAB]  }
0x29: {  	s4 =	sld [smem:$0x3FAD]  }
0x2a: {  	p0 =	seq.s32 s5, $0x0;
	s5 =	sld [smem:$0x3FAE]  }
0x2b: {  	s6 =	sld [smem:$0x3FAF]  }
0x2c: {  	s7 =	sld [smem:$0x3FB0]  }
0x2d: {  	s3 =	simm.s32 $0x108;
	s8 =	sld [smem:$0x3FB1]  }
0x2e: {  	s3 =	simm.s32 @!p0 $0x1082;
	s9 =	sld [smem:$0x3FB2]  }
0x2f: {  	lr =	sadd.s32 s0, s3;
	s0 =	sld [smem:$0x3FA9]  }
0x30: {  	s3 =	sld [smem:$0x3FAC]  }
0x31: {  	[smem:$0x3FB5] =	sst s10  }
0x32: {  	s10 =	sld [smem:$0x3FB3];
	_ =	sdelay $0x3  }
0x33: {  	p0 =	seq.s32 s10, $0x1;
	s10 =	sld [smem:$0x3FB5];
	_ =	sdelay $0x3  }
0x34: {  	[smem:$0x3FB5] =	sst s10  }
0x35: {  	s10 =	sld [smem:$0x3FB4];
	_ =	sdelay $0x3  }
0x36: {  	p1 =	seq.s32 s10, $0x1;
	s10 =	sld [smem:$0x3FB5];
	_ =	sdelay $0x3  }
0x37: {  	[smem:$0x3FB5] =	sst s10  }
0x38: {  	s10 =	sld [smem:$0x3FB6]  }
0x39: {  	_ = 	snop;
	(pc) =	sbr.ind lr, $3  }
0x3a: {  	_ = 	snop  }
0x3b: {  	_ = 	snop  }
0x3c: {  	p2 =	seq.s32 s10, $0x1;
	s10 =	sld [smem:$0x3FB5]  }
0x3d: {  	_ =	shalt  }
0x3e: {  	_ =	shalt  }
0x3f: {  	_ =	shalt  }
0x40: {  	_ =	shalt  }
0x41: {  	_ =	shalt  }
0x42: {  	_ =	shalt  }
0x43: {  	_ =	shalt  }
0x44: {  	_ =	shalt  }
0x45: {  	_ =	shalt  }
0x46: {  	_ =	shalt  }
0x47: {  	_ =	shalt  }
0x48: {  	_ =	shalt  }
0x49: {  	_ =	shalt  }
0x4a: {  	_ =	shalt  }
0x4b: {  	_ =	shalt  }
0x4c: {  	_ =	shalt  }
0x4d: {  	_ =	shalt  }
0x4e: {  	_ =	shalt  }
0x4f: {  	_ =	shalt  }
0x50: {  	_ =	shalt  }
0x51: {  	_ =	shalt  }
0x52: {  	_ =	shalt  }
0x53: {  	_ =	shalt  }
0x54: {  	_ =	shalt  }
0x55: {  	_ =	shalt  }
0x56: {  	_ =	shalt  }
0x57: {  	_ =	shalt  }
0x58: {  	_ =	shalt  }
0x59: {  	_ =	shalt  }
0x5a: {  	_ =	shalt  }
0x5b: {  	_ =	shalt  }
0x5c: {  	_ =	shalt  }
0x5d: {  	_ =	shalt  }
0x5e: {  	_ =	shalt  }
0x5f: {  	_ =	shalt  }
0x60: {  	_ =	shalt  }
0x61: {  	_ =	shalt  }
0x62: {  	_ =	shalt  }
0x63: {  	_ =	shalt  }
0x64: {  	_ =	shalt  }
0x65: {  	_ =	shalt  }
0x66: {  	_ =	shalt  }
0x67: {  	_ =	shalt  }
0x68: {  	_ =	shalt  }
0x69: {  	_ =	shalt  }
0x6a: {  	_ =	shalt  }
0x6b: {  	_ =	shalt  }
0x6c: {  	_ =	shalt  }
0x6d: {  	_ =	shalt  }
0x6e: {  	_ =	shalt  }
0x6f: {  	_ =	shalt  }
0x70: {  	_ =	shalt  }
0x71: {  	_ =	shalt  }
0x72: {  	_ =	shalt  }
0x73: {  	_ =	shalt  }
0x74: {  	_ =	shalt  }
0x75: {  	_ =	shalt  }
0x76: {  	_ =	shalt  }
0x77: {  	_ =	shalt  }
0x78: {  	_ =	shalt  }
0x79: {  	_ =	shalt  }
0x7a: {  	_ =	shalt  }
0x7b: {  	_ =	shalt  }
0x7c: {  	_ =	shalt  }
0x7d: {  	_ =	shalt  }
0x7e: {  	_ =	shalt  }
0x7f: {  	_ =	shalt  }
0x80: {  	_ =	shalt  }
0x81: {  	_ =	shalt  }
0x82: {  	_ =	shalt  }
0x83: {  	_ =	shalt  }
0x84: {  	_ =	shalt  }
0x85: {  	_ =	shalt  }
0x86: {  	_ =	shalt  }
0x87: {  	_ =	shalt  }
.Lfunc_end0:
.L_simem_size_0:
called_computation.1_lowered:
.L_overlay_start_0:
0x88: {  	s2 =	sld [smem:$0x3FD9]  }
0x89: {  	s3 =	sld [smem:$0x3FFE];
	_ =	sdelay $0x1  }
0x8a: {  	s1 =	srdreg.scid  }
0x8b: {  	s0 =	sand.u32 $0x1, s1  }
0x8c: {  	s17 =	sshll.u32 s0, $0xA;
	s2 =	sadd.s32 s3, s2  }
0x8d: {  	s2 =	sadd.s32 s2, s17  }
0x8e: {  	[smem:$0x3FC1] =	sst s2  }
0x8f: {  	_ = 	snop  }
0x90: {  	s2 =	sld [smem:$0x3FD0];
	(tm) =	ssettm $0x1  }
0x91: {  	s18 =	sld [smem:$0x3FFB];
	_ =	sdelay $0x3  }
0x92: {  	_ =	strace s18  }
0x93: {  	s3 =	sld [smem:$0x3FFC];
	_ =	sdelay $0x3  }
0x94: {  	_ =	strace s3  }
0x95: {  	s3 =	sld [smem:$0x3FFD];
	_ =	sdelay $0x3  }
0x96: {  	_ =	strace s3  }
0x97: {  	_ =	strace $0x8FFFFFFF  }
0x98: {  	s19 =	sld [smem:$0x3FDB];
	_ =	sdelay $0x1  }
0x99: {  	s4 =	simm.s32 $_scs_section_size  }
0x9a: {  	s5 =	simm.s32 $_size__tile_overlayer_lowered;
	s6 =	simm.s32 $_tile_overlayer_lowered  }
0x9b: {  	s22 =	simm.s32 $0x1BFF;
	s21 =	sshll.u32 s6, $0x1;
	s3 =	sadd.s32 s4, s19  }
0x9c: {  	s7 =	simm.s32 $0x0;
	s20 =	sshll.u32 s5, $0x1;
	s5 =	sadd.s32 s21, s3  }
0x9d: {  	[timem:s7], [sflag:s22] =	dma.local [hbm:s5], s20  }
0x9e: {  	_ =	swait.ge [sflag:s22], s20  }
0x9f: {  	s4 =	ssub.s32 $0x0, s20;
	[sflag:s22] =	ssyncset.done $0x0  }
0xa0: {  	[sflag:s22] =	ssyncadd.s32 s4;
	_ =	sdelay $0x1  }
0xa1: {  	s23 =	simm.s32 $0x1B8B  }
0xa2: {  	_ =	swait.ge [sflag:s23], $0x1  }
0xa3: {  	[sflag:s23] =	ssyncset.done $0x0  }
0xa4: {  	s25 =	simm.s32 $0x1B8E;
	s24 =	sld [smem:$0x3FFE];
	[sflag:s23] =	ssyncadd.s32 $0xFFFFFFFF  }
0xa5: {  	s26 =	simm.s32 $execute0_lowered;
	[smem:$0x3FD2] =	sst s25  }
0xa6: {  	s5 =	sshll.u32 s26, $0x1;
	_ =	strace $0x80000049;
	[dreg:$0x1] =	wrdreg $0xFFFFFFFF  }
0xa7: {  	s28 =	simm.s32 $_size_execute0_lowered;
	s3 =	sadd.s32 s3, s5;
	[dreg:$0x0] =	wrdreg $0x0  }
0xa8: {  	s5 =	sshll.u32 s28, $0x1;
	[dreg:$0x2] =	wrdreg s3  }
0xa9: {  	[dreg:$0x3] =	wrdreg s5  }
0xaa: {  	[dreg:$0x4] =	wrdreg $0xC0  }
0xab: {  	_ =	task [dreg:s7], $0x5FFFF  }
0xac: {  	[dreg:$0x1] =	wrdreg $0xFFFFFFFF  }
0xad: {  	[dreg:$0x0] =	wrdreg $0x60  }
0xae: {  	[dreg:$0x2] =	wrdreg s2  }
0xaf: {  	[dreg:$0x3] =	wrdreg s24  }
0xb0: {  	[dreg:$0x4] =	wrdreg $0x64000  }
0xb1: {  	[dreg:$0x5] =	wrdreg $0x9  }
0xb2: {  	_ =	task.clear_ibuf [dreg:s7], $0x6FFFF;
	_ =	strace $0x90000049  }
0xb3: {  	s29 =	simm.s32 $0x9;
	_ =	strace $0x8000004B  }
0xb4: {  	_ =	swait.ge [sflag:s29], $0x1  }
0xb5: {  	[sflag:s29] =	ssyncadd.s32 $0xFFFFFFFF  }
0xb6: {  	_ =	strace $0x9000004B  }
0xb7: {  	_ =	sfence  }
0xb8: {  	s30 =	sld [smem:$0x0];
	_ =	sdelay $0x2  }
0xb9: {  	s31 =	sshll.u32 s1, $0xD;
	s1 =	sshrl.u32 s1, $0x2  }
0xba: {  	s3 =	sand.u32 $0x4000, s31;
	s1 =	sadd.s32 s1, s30  }
0xbb: {  	s0 =	sor.u32 s3, s0;
	s1 =	sshll.u32 s1, $0x11  }
0xbc: {  	s0 =	sor.u32 s1, s0  }
0xbd: {  	s0 =	sadd.s32 $0x8F2B, s0  }
0xbe: {  	[sflag:s0] =	ssyncadd.remote.s32 $0x1  }
0xbf: {  	_ =	sfence.sel $0xFFFF  }
0xc0: {  	[dreg:$0x0] =	wrdreg $0xFFFFFFFF;
	(pc) =	sbr.abs _section_cstart, $3  }
0xc1: {  	[dreg:$0x1] =	wrdreg $0xFFFFFFFF  }
0xc2: {  	_ =	task.clear_ibuf [dreg:s7], $0x2FFFF;
	_ =	strace $0x9FFFFFFF  }
0xc3: {  	(tm) =	ssettm $0x7FFFFFFF  }
tec
execute0_lowered:
.L_overlay_start_1:
0x0: {  	(tag) =	ssettag $0x1  }
0x1: {  	s0 =	rddreg [dreg:$0x0]  }
0x2: {  	s8 =	rddreg [dreg:$0x1];
	s1 =	srdreg.scid  }
0x3: {  	s3 =	rddreg [dreg:$0x2];
	s2 =	stileid.u32;
	s4 =	simm.s32 $0x0  }
0x4: {  	s16 =	simm.s32 $0x80;
	s17 =	simm.s32 $0x400;
	s18 =	simm.s32 $0x2000  }
0x5: {  	s19 =	simm.s32 $0x50;
	s20 =	simm.s32 $0x2800;
	s21 =	simm.s32 $0x0  }
0x6: {  	s9 =	sand.u32 $0x1, s1;
	s1 =	rddreg [dreg:$0x3];
	s7 =	smul.u32 $0x1F400, s2  }
0x7: {  	[smem:$0x7FF] =	sst s4;
	s5 =	sadd.s32 $0x31200, s8;
	s14 =	smul.u32 $0x3E80, s2  }
0x8: {  	s11 =	sadd.s32 $0x45200, s8;
	s13 =	sshll.u32 s2, $0x1;
	s15 =	smul.u32 $0x7D000, s2  }
0x9: {  	s6 =	smul.u32 $0x138800, s9;
	_ =	strace $0x8000004A;
	s28 =	ssub.s32 $0x2, s9  }
0xa: {  	s13 =	sor.u32 s9, s13;
	p0 =	seq.s32 s9, $0x0;
	s29 =	sshrl.u32 s28, $0x1  }
0xb: {  	s11 =	smov.u32 @p0 s0;
	s31 =	sshrl.u32 s15, $0x2;
	p0 =	sgt.u32 s2, $0x9  }
.Ltmp0:
0xc: {  	s15 =	simm.s32 $0x1000;
	s10 =	sadd.s32 s7, s6;
	(pc) =	sbr.rel .LBB2_1-.Ltmp0, $4  }
0xd: {  	s6 =	sadd.s32 $0x1D200, s8;
	s30 =	ssub.s32 s28, s29;
	s10 =	sshrl.u32 s10, $0x3  }
0xe: {  	s7 =	sadd.s32 $0x13200, s8;
	s9 =	smax.u32 s30, $0x1;
	s12 =	sadd.s32 s10, s8  }
0xf: {  	s8 =	smul.u32 $0x5, s13;
	s10 =	sadd.s32 s14, s11;
	s11 =	sadd.s32 s31, s3  }
0x10: {  	s13 =	simm.s32 $0x5000;
	s14 =	simm.s32 $0x1;
	s12 =	sadd.s32 $0x6C400, s12  }
.LBB2_15:
0x11: {  	s21 =	sadd.s32 $0x1, s21  }
0x12: {  	p1 =	sne.s32 s21, s9  }
.Ltmp1:
0x13: {  	_ = 	snop;
	(pc) =	sbr.rel @!p1 .LBB2_16-.Ltmp1, $1  }
0x14: {  	_ =	sdelay $0x3  }
.LBB2_1:
.Ltmp2:
0x15: {  	(pc) =	sbr.rel @p0 .LBB2_5-.Ltmp2, $1  }
0x16: {  	_ =	sdelay $0x3  }
0x17: {  	s22 =	sadd.s32 $0x0, s10  }
0x18: {  	[tilespmem:s13], [sflag:$0x1] =	stream.linear.gather [hbm4b:s22+s4], $0x1400, $0x38;
	[tilespmem:$0x19C80] =	vst v63  }
0x19: {  	_ =	swait.ge [sflag:s14], $0x1400  }
0x1a: {  	[sflag:s14] =	ssyncset.done $0x0  }
0x1b: {  	[sflag:s14] =	ssyncadd.s32 $0xFFFFEC00  }
0x1c: {  	[spmem:s11] =	stream.linear.scatter [tilespmem:s13], [sflag:$0x1], $0x1400, $0x38;
	[tilespmem:$0x19C80] =	vst v63  }
0x1d: {  	s23 =	simm.s32 $0x280;
	_ =	swait.ge [sflag:s14], $0x1400  }
0x1e: {  	s24 =	simm.s32 $0x500;
	s22 =	sadd.s32 $0x1400, s11;
	[sflag:s14] =	ssyncset.done $0x0  }
.LBB2_3:
0x1f: {  	s25 =	sadd.s32 s23, s10  }
0x20: {  	[sflag:s14] =	ssyncadd.s32 $0xFFFFEC00;
	s23 =	smov.u32 s24;
	s26 =	sadd.s32 $0x280, s24  }
0x21: {  	[tilespmem:s13], [sflag:$0x1] =	stream.linear.gather [hbm4b:s25+s4], $0x1400, $0x38;
	[tilespmem:$0x19C80] =	vst v63  }
0x22: {  	p1 =	sne.s32 s24, $0x3C00;
	_ =	swait.ge [sflag:s14], $0x1400  }
.Ltmp3:
0x23: {  	[sflag:s14] =	ssyncset.done $0x0;
	(pc) =	sbr.rel @p1 .LBB2_3-.Ltmp3, $4  }
0x24: {  	[sflag:s14] =	ssyncadd.s32 $0xFFFFEC00  }
0x25: {  	[spmem:s22] =	stream.linear.scatter [tilespmem:s13], [sflag:$0x1], $0x1400, $0x38;
	[tilespmem:$0x19C80] =	vst v63  }
0x26: {  	_ =	swait.ge [sflag:s14], $0x1400  }
0x27: {  	s24 =	smov.u32 s26;
	s22 =	sadd.s32 $0x1400, s22;
	[sflag:s14] =	ssyncset.done $0x0  }
0x28: {  	s23 =	sadd.s32 s23, s10;
	[sflag:s14] =	ssyncadd.s32 $0xFFFFEC00  }
0x29: {  	[tilespmem:s13], [sflag:$0x1] =	stream.linear.gather [hbm4b:s23+s4], $0x1400, $0x38;
	[tilespmem:$0x19C80] =	vst v63  }
0x2a: {  	_ =	swait.ge [sflag:s14], $0x1400  }
0x2b: {  	[sflag:s14] =	ssyncset.done $0x0  }
0x2c: {  	[sflag:s14] =	ssyncadd.s32 $0xFFFFEC00  }
0x2d: {  	[spmem:s22] =	stream.linear.scatter [tilespmem:s13], [sflag:$0x1], $0x1400, $0x38;
	[tilespmem:$0x19C80] =	vst v63  }
0x2e: {  	_ =	swait.ge [sflag:s14], $0x1400  }
0x2f: {  	[sflag:s14] =	ssyncset.done $0x0  }
0x30: {  	[sflag:s14] =	ssyncadd.s32 $0xFFFFEC00  }
.LBB2_5:
0x31: {  	[bflag:$0x0] =	sbarrier.arrive $0xFFFF;
	s22 =	simm.s32 $0x0;
	s23 =	simm.s32 $0x0  }
.LBB2_6:
0x32: {  	s24 =	sadd.s32 s8, s23  }
0x33: {  	s25 =	sshll.u32 s24, $0x9  }
0x34: {  	s26 =	sadd.s32 s5, s25  }
0x35: {  	[tilespmem:s22], [sflag:$0x1] =	stream.linear.gather [hbm4b:s26+s22], $0xC80, $0x38;
	[tilespmem:$0x19C80] =	vst v63  }
0x36: {  	_ =	swait.ge [sflag:s14], $0xC80  }
0x37: {  	[sflag:s14] =	ssyncset.done $0x0  }
0x38: {  	s31 =	sshll.u32 s24, $0x4;
	s25 =	sadd.s32 s6, s25;
	[sflag:s14] =	ssyncadd.s32 $0xFFFFF380  }
0x39: {  	[tilespmem:s15], [sflag:$0x1] =	stream.linear.gather [hbm4b:s25+s22], $0xC80, $0x38;
	[tilespmem:$0x19C80] =	vst v63  }
0x3a: {  	s24 =	sshll.u32 s24, $0x8;
	s25 =	sand.u32 $0x70, s31;
	_ =	swait.ge [sflag:s14], $0xC80  }
0x3b: {  	s24 =	sand.u32 $0xFFFF800, s24;
	s25 =	sadd.s32 s7, s25;
	[sflag:s14] =	ssyncset.done $0x0  }
0x3c: {  	s24 =	sadd.s32 s24, s25;
	[sflag:s14] =	ssyncadd.s32 $0xFFFFF380  }
0x3d: {  	[tilespmem:s18], [sflag:$0x1] =	stream.strided.gather [hbm4b:s24+s16], $0x800, s17, s16, $0x38;
	[tilespmem:$0x19C80] =	vst v63  }
0x3e: {  	_ =	swait.ge [sflag:s14], $0x800  }
0x3f: {  	[sflag:s14] =	ssyncset.done $0x0  }
0x40: {  	s25 =	simm.s32 $0x0;
	s24 =	simm.s32 $0x0;
	[sflag:s14] =	ssyncadd.s32 $0xFFFFF800  }
.LBB2_7:
0x41: {  	s26 =	sshll.u32 s25, $0x7  }
0x42: {  	[tilespmem:s20], [sflag:$0x1] =	stream.indirect.gather [hbm4b:s0+s19], $0x80, s26, s19, $0xb8;
	[tilespmem:$0x19C80] =	vst v63  }
0x43: {  	s28 =	sadd.s32 $0x0, s24;
	_ =	swait.ge [sflag:s14], $0x2800  }
0x44: {  	v0 =	vmov s28;
	[sflag:s14] =	ssyncset.done $0x0  }
0x45: {  	s28 =	simm.s32 $0x2840;
	[sflag:s14] =	ssyncadd.s32 $0xFFFFD800  }
0x46: {  	v4 =	vld [tilespmem:s28+$0x30]  }
0x47: {  	v7 =	vld [tilespmem:s28+$0x10]  }
0x48: {  	v5 =	vld [tilespmem:s28+$0xFFFFFFC0]  }
0x49: {  	v1 =	vld.idx.msk [tilespmem:v0+s18+$0x0], $0xffff  }
0x4a: {  	v9 =	vld [tilespmem:s28+$0xFFFFFFE0]  }
0x4b: {  	v2 =	vld [tilespmem:s28+$0x20]  }
0x4c: {  	v3 =	vld [tilespmem:s28+$0xFFFFFFD0]  }
0x4d: {  	v0 =	vld [tilespmem:s28+$0xFFFFFFF0]  }
0x4e: {  	v8 =	vmul.f32 v4, v1;
	v4 =	vld [tilespmem:s28+$0x0]  }
0x4f: {  	v6 =	vmul.f32 v5, v1  }
0x50: {  	s29 =	simm.s32 $0x1;
	s30 =	simm.s32 $0x2840;
	v5 =	vmul.f32 v9, v1;
	v7 =	vmul.f32 v7, v1  }
.LBB2_8:
0x51: {  	p1 =	sne.s32 s29, $0x4F  }
0x52: {  	v3 =	vmul.f32 v3, v1;
	v2 =	vmul.f32 v2, v1;
	[tilespmem:s28+$0x30] =	vst v8;
	s30 =	sadd.s32 $0x80, s30;
	s31 =	smov.u32 s29;
	s29 =	sadd.s32 $0x1, s29  }
0x53: {  	[tilespmem:s28+$0xFFFFFFC0] =	vst v6;
	v6 =	vmul.f32 v0, v1;
	v1 =	vmul.f32 v4, v1  }
0x54: {  	s31 =	sadd.s32 s31, s24;
	[tilespmem:s28+$0x10] =	vst v7  }
0x55: {  	v4 =	vmov s31;
	[tilespmem:s28+$0xFFFFFFE0] =	vst v5  }
0x56: {  	v0 =	vld [tilespmem:s30+$0xFFFFFFF0];
	[tilespmem:s28+$0xFFFFFFF0] =	vst v6  }
0x57: {  	v5 =	vld [tilespmem:s30+$0x30];
	[tilespmem:s28+$0x0] =	vst v1  }
0x58: {  	v7 =	vld [tilespmem:s30+$0x10];
	[tilespmem:s28+$0x20] =	vst v2  }
0x59: {  	v6 =	vld [tilespmem:s30+$0xFFFFFFC0];
	[tilespmem:s28+$0xFFFFFFD0] =	vst v3;
	s28 =	smov.u32 s30  }
0x5a: {  	v1 =	vld.idx.msk [tilespmem:v4+s18+$0x0], $0xffff  }
0x5b: {  	v9 =	vld [tilespmem:s30+$0xFFFFFFE0]  }
0x5c: {  	v2 =	vld [tilespmem:s30+$0x20]  }
.Ltmp4:
0x5d: {  	v3 =	vld [tilespmem:s30+$0xFFFFFFD0];
	(pc) =	sbr.rel @p1 .LBB2_8-.Ltmp4, $3  }
0x5e: {  	v4 =	vld [tilespmem:s30+$0x0];
	_ =	sdelay $0x1  }
0x5f: {  	v6 =	vmul.f32 v6, v1;
	v8 =	vmul.f32 v5, v1  }
0x60: {  	v7 =	vmul.f32 v7, v1;
	v5 =	vmul.f32 v9, v1  }
0x61: {  	[tilespmem:s28+$0x30] =	vst v8  }
0x62: {  	[tilespmem:s28+$0xFFFFFFC0] =	vst v6  }
0x63: {  	v0 =	vmul.f32 v0, v1;
	[tilespmem:s28+$0x10] =	vst v7  }
0x64: {  	v2 =	vmul.f32 v2, v1;
	[tilespmem:s28+$0xFFFFFFE0] =	vst v5  }
0x65: {  	v63 =	vmul.f32 v3, v1;
	[tilespmem:s28+$0xFFFFFFF0] =	vst v0  }
0x66: {  	s25 =	sadd.s32 $0x1, s25;
	v4 =	vmul.f32 v4, v1;
	[tilespmem:s28+$0x20] =	vst v2  }
0x67: {  	p1 =	sne.s32 s25, $0x19;
	[tilespmem:s28+$0xFFFFFFD0] =	vst v63  }
.Ltmp5:
0x68: {  	s26 =	sadd.s32 $0x1000, s26;
	[tilespmem:s28+$0x0] =	vst v4;
	(pc) =	sbr.rel @p1 .LBB2_7-.Ltmp5, $4  }
0x69: {  	[spmem:s3] =	stream.indirect.scatter.add.f32 [tilespmem:s20], [sflag:$0x1], $0x80, s26, s19, $0xb8;
	[tilespmem:$0x19C80] =	vst v63  }
0x6a: {  	_ =	swait.ge [sflag:s14], $0x2800  }
0x6b: {  	[sflag:s14] =	ssyncset.done $0x0  }
0x6c: {  	s24 =	sadd.s32 $0x50, s24;
	[sflag:s14] =	ssyncadd.s32 $0xFFFFD800  }
0x6d: {  	s23 =	sadd.s32 $0x1, s23  }
0x6e: {  	p1 =	sne.s32 s23, $0x5  }
.Ltmp6:
0x6f: {  	_ = 	snop;
	(pc) =	sbr.rel @p1 .LBB2_6-.Ltmp6, $1  }
0x70: {  	_ =	sdelay $0x3  }
.Ltmp7:
0x71: {  	(pc) =	sbr.rel @p0 .LBB2_15-.Ltmp7, $2  }
0x72: {  	_ =	sdelay $0x1  }
0x73: {  	[bflag:$0x0] =	sbarrier.arrive $0xFFFF;
	_ =	sdelay $0x1  }
0x74: {  	[tilespmem:s13], [sflag:$0x1] =	stream.linear.gather [spmem:s11], $0x1400, $0x38;
	[tilespmem:$0x19C80] =	vst v63  }
0x75: {  	_ =	swait.ge [sflag:s14], $0x1400  }
0x76: {  	[sflag:s14] =	ssyncset.done $0x0  }
0x77: {  	s22 =	sadd.s32 $0x0, s12;
	[sflag:s14] =	ssyncadd.s32 $0xFFFFEC00  }
0x78: {  	[hbm4b:s22+s4] =	stream.linear.scatter [tilespmem:s13], [sflag:$0x1], $0x1400, $0x38;
	[tilespmem:$0x19C80] =	vst v63  }
0x79: {  	_ =	swait.ge [sflag:s14], $0x1400  }
0x7a: {  	s23 =	smov.u32 s11;
	s22 =	simm.s32 $0x280;
	[sflag:s14] =	ssyncset.done $0x0  }
.LBB2_13:
0x7b: {  	p1 =	sne.s32 s22, $0x3C00;
	[sflag:s14] =	ssyncadd.s32 $0xFFFFEC00;
	s23 =	sadd.s32 $0x1400, s23  }
0x7c: {  	[tilespmem:s13], [sflag:$0x1] =	stream.linear.gather [spmem:s23], $0x1400, $0x38;
	[tilespmem:$0x19C80] =	vst v63  }
0x7d: {  	s24 =	smov.u32 s22;
	s22 =	sadd.s32 $0x280, s22;
	_ =	swait.ge [sflag:s14], $0x1400  }
.Ltmp8:
0x7e: {  	[sflag:s14] =	ssyncset.done $0x0;
	(pc) =	sbr.rel @p1 .LBB2_13-.Ltmp8, $4  }
0x7f: {  	s24 =	sadd.s32 s24, s12;
	[sflag:s14] =	ssyncadd.s32 $0xFFFFEC00  }
0x80: {  	[hbm4b:s24+s4] =	stream.linear.scatter [tilespmem:s13], [sflag:$0x1], $0x1400, $0x38;
	[tilespmem:$0x19C80] =	vst v63  }
0x81: {  	_ =	swait.ge [sflag:s14], $0x1400  }
0x82: {  	[sflag:s14] =	ssyncset.done $0x0  }
.Ltmp9:
0x83: {  	(pc) =	sbr.rel .LBB2_15-.Ltmp9, $2  }
0x84: {  	_ =	sdelay $0x2  }
0x85: {  	[sflag:s14] =	ssyncadd.s32 $0xFFFFEC00  }
.LBB2_16:
0x86: {  	_ =	sfence.sel $0x180000  }
0x87: {  	[bflag:$0x0] =	sbarrier.arrive $0xFFFF  }
0x88: {  	p0 =	sne.s32 s2, $0x0;
	_ =	strace $0x9000004A  }
0x89: {  	s0 =	sadd.s32 @!p0 $0x100000, s1;
	[bflag:$0x2] =	sbarrier.arrive $0xFFFF  }
0x8a: {  	[sflag:s0] =	ssyncadd.tile.s32 @!p0 $0x1;
	_ =	shalt  }
.Lfunc_end2:
_tile_overlayer_lowered:
.L_overlay_start_2:
0x8b: {  	(tag) =	ssettag $0x2  }
0x8c: {  	s0 =	rddreg [dreg:$0x0];
	s2 =	stileid.u32  }
0x8d: {  	s1 =	rddreg [dreg:$0x1];
	p0 =	sne.s32 s2, $0x0  }
0x8e: {  	s3 =	rddreg [dreg:$0x2];
	[bflag:$0x3] =	sbarrier.arrive $0xFFFF;
	s2 =	simm.s32 @!p0 $0x1C01  }
0x8f: {  	[timem:s3], [sflag:s2] =	dma.local @!p0 [hbm:s0], s1  }
0x90: {  	s0 =	simm.s32 @!p0 $0x1  }
0x91: {  	_ =	swait.ge @!p0 [sflag:s0], s1  }
0x92: {  	s1 =	ssub.s32 @!p0 $0x0, s1;
	[sflag:s0] =	ssyncset.done @!p0 $0x0  }
0x93: {  	[sflag:s0] =	ssyncadd.s32 @!p0 s1  }
0x94: {  	[bflag:$0x3] =	sbarrier.arrive $0xFFFF  }
0x95: {  	_ =	shalt  }

// kernel: kernel.14.cloned.1.call-start
scs
__scs_entry_jumppad:
0x0: {  	(pc) =	sbr.rel $0x88, $3  }
0x1: {  	(tag) =	ssettag $0x0;
	lr =	simm.s32 $0x1  }
0x2: {  	[smem:$0x3F9A] =	sst lr;
	_ =	strace $0xD0000000  }
0x3: {  	_ = 	snop  }
0x4: {  	_ = 	snop  }
0x5: {  	_ = 	snop  }
0x6: {  	_ = 	snop  }
0x7: {  	_ = 	snop  }
__scs_overlays_trampoline_lowered:
0x8: {  	[smem:$0x3FA9] =	sst s0  }
0x9: {  	[smem:$0x3FAA] =	sst s1  }
0xa: {  	[smem:$0x3FAB] =	sst s2  }
0xb: {  	[smem:$0x3FAC] =	sst s3  }
0xc: {  	[smem:$0x3FAD] =	sst s4  }
0xd: {  	[smem:$0x3FAE] =	sst s5  }
0xe: {  	[smem:$0x3FAF] =	sst s6  }
0xf: {  	[smem:$0x3FB0] =	sst s7  }
0x10: {  	[smem:$0x3FB1] =	sst s8  }
0x11: {  	[smem:$0x3FB2] =	sst s9;
	s0 =	simm.s32 @!p0 $0x0  }
0x12: {  	s1 =	sld [smem:$0x3F98];
	s0 =	simm.s32 @p0 $0x1  }
0x13: {  	[smem:$0x3FB3] =	sst s0;
	s0 =	simm.s32 @!p1 $0x0  }
0x14: {  	s2 =	sld [smem:$0x3F97];
	s0 =	simm.s32 @p1 $0x1  }
0x15: {  	[smem:$0x3FB4] =	sst s0;
	s0 =	simm.s32 @!p2 $0x0  }
0x16: {  	s3 =	sld [smem:$0x3FDB];
	s0 =	simm.s32 @p2 $0x1  }
0x17: {  	s4 =	simm.s32 $0x1BF5;
	[smem:$0x3FB6] =	sst s0  }
0x18: {  	s0 =	sld [smem:$0x3F99];
	_ =	swait.ge [sflag:s4], $0x0  }
0x19: {  	s7 =	sld [smem:$0x3F9A]  }
0x1a: {  	s8 =	sadd.s32 $0xFFFFE003, lr  }
0x1b: {  	s9 =	sadd.s32 $0xFFFFFEF7, lr;
	s5 =	simm.s32 $0xFFFFFFFF;
	p2 =	slt.u32 s8, $0xFFFFF086  }
0x1c: {  	p1 =	slt.u32 s9, $0xF7A;
	s5 =	simm.s32 @!p2 $0x0  }
0x1d: {  	s5 =	simm.s32 @p1 $0x1;
	p0 =	seq.s32 s7, s2  }
0x1e: {  	s7 =	smul.u32 @!p0 $0xF7A, s2;
	p2 =	seq.s32 @!p0 s5, $0x0  }
0x1f: {  	s9 =	smul.u32 $0xF7A, s1;
	s8 =	simm.s32 @!p0 $0x1BF5;
	p2 =	por !p2, p0  }
0x20: {  	[sflag:s8] =	ssyncset.s32 @!p0 $0xFFFFF086;
	s6 =	sadd.s32 @!p0 s3, s7;
	s7 =	simm.s32 @!p0 $0x108  }
0x21: {  	s3 =	sadd.s32 s3, s9;
	s6 =	sadd.s32 @!p0 $0x88, s6;
	s7 =	simm.s32 @p2 $0x1082  }
0x22: {  	[simem:s7], [sflag:s8] =	dma.local @!p0 [hbm:s6], $0xF7A  }
0x23: {  	s9 =	sor.u32 $0xD0000000, s2;
	s6 =	simm.s32 $0x108;
	_ =	swait.ge @!p0 [sflag:s8], $0x0  }
0x24: {  	s3 =	sadd.s32 $0x88, s3;
	s6 =	simm.s32 @!p1 $0x1082;
	[sflag:s4] =	ssyncset.s32 $0xFFFFF086  }
0x25: {  	[simem:s6], [sflag:s4] =	dma.local [hbm:s3], $0xF7A  }
0x26: {  	[smem:$0x3F9A] =	sst s1;
	(tag) =	ssettag s2;
	_ =	strace s9  }
0x27: {  	s1 =	sld [smem:$0x3FAA]  }
0x28: {  	s2 =	sld [smem:$0x3FAB]  }
0x29: {  	s4 =	sld [smem:$0x3FAD]  }
0x2a: {  	p0 =	seq.s32 s5, $0x0;
	s5 =	sld [smem:$0x3FAE]  }
0x2b: {  	s6 =	sld [smem:$0x3FAF]  }
0x2c: {  	s7 =	sld [smem:$0x3FB0]  }
0x2d: {  	s3 =	simm.s32 $0x108;
	s8 =	sld [smem:$0x3FB1]  }
0x2e: {  	s3 =	simm.s32 @!p0 $0x1082;
	s9 =	sld [smem:$0x3FB2]  }
0x2f: {  	lr =	sadd.s32 s0, s3;
	s0 =	sld [smem:$0x3FA9]  }
0x30: {  	s3 =	sld [smem:$0x3FAC]  }
0x31: {  	[smem:$0x3FB5] =	sst s10  }
0x32: {  	s10 =	sld [smem:$0x3FB3];
	_ =	sdelay $0x3  }
0x33: {  	p0 =	seq.s32 s10, $0x1;
	s10 =	sld [smem:$0x3FB5];
	_ =	sdelay $0x3  }
0x34: {  	[smem:$0x3FB5] =	sst s10  }
0x35: {  	s10 =	sld [smem:$0x3FB4];
	_ =	sdelay $0x3  }
0x36: {  	p1 =	seq.s32 s10, $0x1;
	s10 =	sld [smem:$0x3FB5];
	_ =	sdelay $0x3  }
0x37: {  	[smem:$0x3FB5] =	sst s10  }
0x38: {  	s10 =	sld [smem:$0x3FB6]  }
0x39: {  	_ = 	snop;
	(pc) =	sbr.ind lr, $3  }
0x3a: {  	_ = 	snop  }
0x3b: {  	_ = 	snop  }
0x3c: {  	p2 =	seq.s32 s10, $0x1;
	s10 =	sld [smem:$0x3FB5]  }
0x3d: {  	_ =	shalt  }
0x3e: {  	_ =	shalt  }
0x3f: {  	_ =	shalt  }
0x40: {  	_ =	shalt  }
0x41: {  	_ =	shalt  }
0x42: {  	_ =	shalt  }
0x43: {  	_ =	shalt  }
0x44: {  	_ =	shalt  }
0x45: {  	_ =	shalt  }
0x46: {  	_ =	shalt  }
0x47: {  	_ =	shalt  }
0x48: {  	_ =	shalt  }
0x49: {  	_ =	shalt  }
0x4a: {  	_ =	shalt  }
0x4b: {  	_ =	shalt  }
0x4c: {  	_ =	shalt  }
0x4d: {  	_ =	shalt  }
0x4e: {  	_ =	shalt  }
0x4f: {  	_ =	shalt  }
0x50: {  	_ =	shalt  }
0x51: {  	_ =	shalt  }
0x52: {  	_ =	shalt  }
0x53: {  	_ =	shalt  }
0x54: {  	_ =	shalt  }
0x55: {  	_ =	shalt  }
0x56: {  	_ =	shalt  }
0x57: {  	_ =	shalt  }
0x58: {  	_ =	shalt  }
0x59: {  	_ =	shalt  }
0x5a: {  	_ =	shalt  }
0x5b: {  	_ =	shalt  }
0x5c: {  	_ =	shalt  }
0x5d: {  	_ =	shalt  }
0x5e: {  	_ =	shalt  }
0x5f: {  	_ =	shalt  }
0x60: {  	_ =	shalt  }
0x61: {  	_ =	shalt  }
0x62: {  	_ =	shalt  }
0x63: {  	_ =	shalt  }
0x64: {  	_ =	shalt  }
0x65: {  	_ =	shalt  }
0x66: {  	_ =	shalt  }
0x67: {  	_ =	shalt  }
0x68: {  	_ =	shalt  }
0x69: {  	_ =	shalt  }
0x6a: {  	_ =	shalt  }
0x6b: {  	_ =	shalt  }
0x6c: {  	_ =	shalt  }
0x6d: {  	_ =	shalt  }
0x6e: {  	_ =	shalt  }
0x6f: {  	_ =	shalt  }
0x70: {  	_ =	shalt  }
0x71: {  	_ =	shalt  }
0x72: {  	_ =	shalt  }
0x73: {  	_ =	shalt  }
0x74: {  	_ =	shalt  }
0x75: {  	_ =	shalt  }
0x76: {  	_ =	shalt  }
0x77: {  	_ =	shalt  }
0x78: {  	_ =	shalt  }
0x79: {  	_ =	shalt  }
0x7a: {  	_ =	shalt  }
0x7b: {  	_ =	shalt  }
0x7c: {  	_ =	shalt  }
0x7d: {  	_ =	shalt  }
0x7e: {  	_ =	shalt  }
0x7f: {  	_ =	shalt  }
0x80: {  	_ =	shalt  }
0x81: {  	_ =	shalt  }
0x82: {  	_ =	shalt  }
0x83: {  	_ =	shalt  }
0x84: {  	_ =	shalt  }
0x85: {  	_ =	shalt  }
0x86: {  	_ =	shalt  }
0x87: {  	_ =	shalt  }
.Lfunc_end0:
.L_simem_size_0:
called_computation.2_lowered:
.L_overlay_start_0:
0x88: {  	s2 =	sld [smem:$0x3FD9]  }
0x89: {  	s3 =	sld [smem:$0x3FFE];
	_ =	sdelay $0x1  }
0x8a: {  	s1 =	srdreg.scid  }
0x8b: {  	s0 =	sand.u32 $0x1, s1  }
0x8c: {  	s17 =	sshll.u32 s0, $0xA;
	s2 =	sadd.s32 s3, s2  }
0x8d: {  	s2 =	sadd.s32 s2, s17  }
0x8e: {  	[smem:$0x3FC1] =	sst s2  }
0x8f: {  	_ = 	snop  }
0x90: {  	s2 =	sld [smem:$0x3FD0];
	(tm) =	ssettm $0x1  }
0x91: {  	s18 =	sld [smem:$0x3FFB];
	_ =	sdelay $0x3  }
0x92: {  	_ =	strace s18  }
0x93: {  	s3 =	sld [smem:$0x3FFC];
	_ =	sdelay $0x3  }
0x94: {  	_ =	strace s3  }
0x95: {  	s3 =	sld [smem:$0x3FFD];
	_ =	sdelay $0x3  }
0x96: {  	_ =	strace s3  }
0x97: {  	_ =	strace $0x8FFFFFFF  }
0x98: {  	s19 =	sld [smem:$0x3FDB];
	_ =	sdelay $0x1  }
0x99: {  	s4 =	simm.s32 $_scs_section_size  }
0x9a: {  	s5 =	simm.s32 $_size__tile_overlayer_lowered;
	s6 =	simm.s32 $_tile_overlayer_lowered  }
0x9b: {  	s22 =	simm.s32 $0x1BFF;
	s21 =	sshll.u32 s6, $0x1;
	s3 =	sadd.s32 s4, s19  }
0x9c: {  	s7 =	simm.s32 $0x0;
	s20 =	sshll.u32 s5, $0x1;
	s5 =	sadd.s32 s21, s3  }
0x9d: {  	[timem:s7], [sflag:s22] =	dma.local [hbm:s5], s20  }
0x9e: {  	_ =	swait.ge [sflag:s22], s20  }
0x9f: {  	s4 =	ssub.s32 $0x0, s20;
	[sflag:s22] =	ssyncset.done $0x0  }
0xa0: {  	[sflag:s22] =	ssyncadd.s32 s4;
	_ =	sdelay $0x1  }
0xa1: {  	s23 =	simm.s32 $0x1B8B  }
0xa2: {  	_ =	swait.ge [sflag:s23], $0x1  }
0xa3: {  	[sflag:s23] =	ssyncset.done $0x0  }
0xa4: {  	s25 =	simm.s32 $0x1B8E;
	s24 =	sld [smem:$0x3FFE];
	[sflag:s23] =	ssyncadd.s32 $0xFFFFFFFF  }
0xa5: {  	s26 =	simm.s32 $execute0_lowered;
	[smem:$0x3FD2] =	sst s25  }
0xa6: {  	s5 =	sshll.u32 s26, $0x1;
	_ =	strace $0x8000004C;
	[dreg:$0x1] =	wrdreg $0xFFFFFFFF  }
0xa7: {  	s28 =	simm.s32 $_size_execute0_lowered;
	s3 =	sadd.s32 s3, s5;
	[dreg:$0x0] =	wrdreg $0x0  }
0xa8: {  	s5 =	sshll.u32 s28, $0x1;
	[dreg:$0x2] =	wrdreg s3  }
0xa9: {  	[dreg:$0x3] =	wrdreg s5  }
0xaa: {  	[dreg:$0x4] =	wrdreg $0xC0  }
0xab: {  	_ =	task [dreg:s7], $0x5FFFF  }
0xac: {  	[dreg:$0x1] =	wrdreg $0xFFFFFFFF  }
0xad: {  	[dreg:$0x0] =	wrdreg $0x60  }
0xae: {  	[dreg:$0x2] =	wrdreg s2  }
0xaf: {  	[dreg:$0x3] =	wrdreg s24  }
0xb0: {  	[dreg:$0x4] =	wrdreg $0x64000  }
0xb1: {  	[dreg:$0x5] =	wrdreg $0x9  }
0xb2: {  	_ =	task.clear_ibuf [dreg:s7], $0x6FFFF;
	_ =	strace $0x9000004C  }
0xb3: {  	s29 =	simm.s32 $0x9;
	_ =	strace $0x8000004E  }
0xb4: {  	_ =	swait.ge [sflag:s29], $0x1  }
0xb5: {  	[sflag:s29] =	ssyncadd.s32 $0xFFFFFFFF  }
0xb6: {  	_ =	strace $0x9000004E  }
0xb7: {  	_ =	sfence  }
0xb8: {  	s30 =	sld [smem:$0x0];
	_ =	sdelay $0x2  }
0xb9: {  	s31 =	sshll.u32 s1, $0xD;
	s1 =	sshrl.u32 s1, $0x2  }
0xba: {  	s3 =	sand.u32 $0x4000, s31;
	s1 =	sadd.s32 s1, s30  }
0xbb: {  	s0 =	sor.u32 s3, s0;
	s1 =	sshll.u32 s1, $0x11  }
0xbc: {  	s0 =	sor.u32 s1, s0  }
0xbd: {  	s0 =	sadd.s32 $0x8F2B, s0  }
0xbe: {  	[sflag:s0] =	ssyncadd.remote.s32 $0x1  }
0xbf: {  	_ =	sfence.sel $0xFFFF  }
0xc0: {  	[dreg:$0x0] =	wrdreg $0xFFFFFFFF;
	(pc) =	sbr.abs _section_cstart, $3  }
0xc1: {  	[dreg:$0x1] =	wrdreg $0xFFFFFFFF  }
0xc2: {  	_ =	task.clear_ibuf [dreg:s7], $0x2FFFF;
	_ =	strace $0x9FFFFFFF  }
0xc3: {  	(tm) =	ssettm $0x7FFFFFFF  }
tec
execute0_lowered:
.L_overlay_start_1:
0x0: {  	(tag) =	ssettag $0x1  }
0x1: {  	s0 =	rddreg [dreg:$0x0]  }
0x2: {  	s8 =	rddreg [dreg:$0x1];
	s1 =	srdreg.scid  }
0x3: {  	s3 =	rddreg [dreg:$0x2];
	s2 =	stileid.u32;
	s4 =	simm.s32 $0x0  }
0x4: {  	s16 =	simm.s32 $0x80;
	s17 =	simm.s32 $0x400;
	s18 =	simm.s32 $0x2000  }
0x5: {  	s19 =	simm.s32 $0x50;
	s20 =	simm.s32 $0x2800;
	s21 =	simm.s32 $0x0  }
0x6: {  	s9 =	sand.u32 $0x1, s1;
	s1 =	rddreg [dreg:$0x3];
	s7 =	smul.u32 $0x1F400, s2  }
0x7: {  	[smem:$0x7FF] =	sst s4;
	s5 =	sadd.s32 $0x31200, s8;
	s14 =	smul.u32 $0x3E80, s2  }
0x8: {  	s11 =	sadd.s32 $0x45200, s8;
	s13 =	sshll.u32 s2, $0x1;
	s15 =	smul.u32 $0x7D000, s2  }
0x9: {  	s6 =	smul.u32 $0x138800, s9;
	_ =	strace $0x8000004D;
	s28 =	ssub.s32 $0x2, s9  }
0xa: {  	s13 =	sor.u32 s9, s13;
	p0 =	seq.s32 s9, $0x0;
	s29 =	sshrl.u32 s28, $0x1  }
0xb: {  	s11 =	smov.u32 @p0 s0;
	s31 =	sshrl.u32 s15, $0x2;
	p0 =	sgt.u32 s2, $0x9  }
.Ltmp0:
0xc: {  	s15 =	simm.s32 $0x1000;
	s10 =	sadd.s32 s7, s6;
	(pc) =	sbr.rel .LBB2_1-.Ltmp0, $4  }
0xd: {  	s6 =	sadd.s32 $0x1D200, s8;
	s30 =	ssub.s32 s28, s29;
	s10 =	sshrl.u32 s10, $0x3  }
0xe: {  	s7 =	sadd.s32 $0x13200, s8;
	s9 =	smax.u32 s30, $0x1;
	s12 =	sadd.s32 s10, s8  }
0xf: {  	s8 =	smul.u32 $0x5, s13;
	s10 =	sadd.s32 s14, s11;
	s11 =	sadd.s32 s31, s3  }
0x10: {  	s13 =	simm.s32 $0x5000;
	s14 =	simm.s32 $0x1;
	s12 =	sadd.s32 $0x6C400, s12  }
.LBB2_15:
0x11: {  	s21 =	sadd.s32 $0x1, s21  }
0x12: {  	p1 =	sne.s32 s21, s9  }
.Ltmp1:
0x13: {  	_ = 	snop;
	(pc) =	sbr.rel @!p1 .LBB2_16-.Ltmp1, $1  }
0x14: {  	_ =	sdelay $0x3  }
.LBB2_1:
.Ltmp2:
0x15: {  	(pc) =	sbr.rel @p0 .LBB2_5-.Ltmp2, $1  }
0x16: {  	_ =	sdelay $0x3  }
0x17: {  	s22 =	sadd.s32 $0x0, s10  }
0x18: {  	[tilespmem:s13], [sflag:$0x1] =	stream.linear.gather [hbm4b:s22+s4], $0x1400, $0x38;
	[tilespmem:$0x19C80] =	vst v63  }
0x19: {  	_ =	swait.ge [sflag:s14], $0x1400  }
0x1a: {  	[sflag:s14] =	ssyncset.done $0x0  }
0x1b: {  	[sflag:s14] =	ssyncadd.s32 $0xFFFFEC00  }
0x1c: {  	[spmem:s11] =	stream.linear.scatter [tilespmem:s13], [sflag:$0x1], $0x1400, $0x38;
	[tilespmem:$0x19C80] =	vst v63  }
0x1d: {  	s23 =	simm.s32 $0x280;
	_ =	swait.ge [sflag:s14], $0x1400  }
0x1e: {  	s24 =	simm.s32 $0x500;
	s22 =	sadd.s32 $0x1400, s11;
	[sflag:s14] =	ssyncset.done $0x0  }
.LBB2_3:
0x1f: {  	s25 =	sadd.s32 s23, s10  }
0x20: {  	[sflag:s14] =	ssyncadd.s32 $0xFFFFEC00;
	s23 =	smov.u32 s24;
	s26 =	sadd.s32 $0x280, s24  }
0x21: {  	[tilespmem:s13], [sflag:$0x1] =	stream.linear.gather [hbm4b:s25+s4], $0x1400, $0x38;
	[tilespmem:$0x19C80] =	vst v63  }
0x22: {  	p1 =	sne.s32 s24, $0x3C00;
	_ =	swait.ge [sflag:s14], $0x1400  }
.Ltmp3:
0x23: {  	[sflag:s14] =	ssyncset.done $0x0;
	(pc) =	sbr.rel @p1 .LBB2_3-.Ltmp3, $4  }
0x24: {  	[sflag:s14] =	ssyncadd.s32 $0xFFFFEC00  }
0x25: {  	[spmem:s22] =	stream.linear.scatter [tilespmem:s13], [sflag:$0x1], $0x1400, $0x38;
	[tilespmem:$0x19C80] =	vst v63  }
0x26: {  	_ =	swait.ge [sflag:s14], $0x1400  }
0x27: {  	s24 =	smov.u32 s26;
	s22 =	sadd.s32 $0x1400, s22;
	[sflag:s14] =	ssyncset.done $0x0  }
0x28: {  	s23 =	sadd.s32 s23, s10;
	[sflag:s14] =	ssyncadd.s32 $0xFFFFEC00  }
0x29: {  	[tilespmem:s13], [sflag:$0x1] =	stream.linear.gather [hbm4b:s23+s4], $0x1400, $0x38;
	[tilespmem:$0x19C80] =	vst v63  }
0x2a: {  	_ =	swait.ge [sflag:s14], $0x1400  }
0x2b: {  	[sflag:s14] =	ssyncset.done $0x0  }
0x2c: {  	[sflag:s14] =	ssyncadd.s32 $0xFFFFEC00  }
0x2d: {  	[spmem:s22] =	stream.linear.scatter [tilespmem:s13], [sflag:$0x1], $0x1400, $0x38;
	[tilespmem:$0x19C80] =	vst v63  }
0x2e: {  	_ =	swait.ge [sflag:s14], $0x1400  }
0x2f: {  	[sflag:s14] =	ssyncset.done $0x0  }
0x30: {  	[sflag:s14] =	ssyncadd.s32 $0xFFFFEC00  }
.LBB2_5:
0x31: {  	[bflag:$0x0] =	sbarrier.arrive $0xFFFF;
	s22 =	simm.s32 $0x0;
	s23 =	simm.s32 $0x0  }
.LBB2_6:
0x32: {  	s24 =	sadd.s32 s8, s23  }
0x33: {  	s25 =	sshll.u32 s24, $0x9  }
0x34: {  	s26 =	sadd.s32 s5, s25  }
0x35: {  	[tilespmem:s22], [sflag:$0x1] =	stream.linear.gather [hbm4b:s26+s22], $0xC80, $0x38;
	[tilespmem:$0x19C80] =	vst v63  }
0x36: {  	_ =	swait.ge [sflag:s14], $0xC80  }
0x37: {  	[sflag:s14] =	ssyncset.done $0x0  }
0x38: {  	s31 =	sshll.u32 s24, $0x4;
	s25 =	sadd.s32 s6, s25;
	[sflag:s14] =	ssyncadd.s32 $0xFFFFF380  }
0x39: {  	[tilespmem:s15], [sflag:$0x1] =	stream.linear.gather [hbm4b:s25+s22], $0xC80, $0x38;
	[tilespmem:$0x19C80] =	vst v63  }
0x3a: {  	s24 =	sshll.u32 s24, $0x8;
	s25 =	sand.u32 $0x70, s31;
	_ =	swait.ge [sflag:s14], $0xC80  }
0x3b: {  	s24 =	sand.u32 $0xFFFF800, s24;
	s25 =	sadd.s32 s7, s25;
	[sflag:s14] =	ssyncset.done $0x0  }
0x3c: {  	s24 =	sadd.s32 s24, s25;
	[sflag:s14] =	ssyncadd.s32 $0xFFFFF380  }
0x3d: {  	[tilespmem:s18], [sflag:$0x1] =	stream.strided.gather [hbm4b:s24+s16], $0x800, s17, s16, $0x38;
	[tilespmem:$0x19C80] =	vst v63  }
0x3e: {  	_ =	swait.ge [sflag:s14], $0x800  }
0x3f: {  	[sflag:s14] =	ssyncset.done $0x0  }
0x40: {  	s25 =	simm.s32 $0x0;
	s24 =	simm.s32 $0x0;
	[sflag:s14] =	ssyncadd.s32 $0xFFFFF800  }
.LBB2_7:
0x41: {  	s26 =	sshll.u32 s25, $0x7  }
0x42: {  	[tilespmem:s20], [sflag:$0x1] =	stream.indirect.gather [hbm4b:s0+s19], $0x80, s26, s19, $0xb8;
	[tilespmem:$0x19C80] =	vst v63  }
0x43: {  	s28 =	sadd.s32 $0x0, s24;
	_ =	swait.ge [sflag:s14], $0x2800  }
0x44: {  	v0 =	vmov s28;
	[sflag:s14] =	ssyncset.done $0x0  }
0x45: {  	s28 =	simm.s32 $0x2840;
	[sflag:s14] =	ssyncadd.s32 $0xFFFFD800  }
0x46: {  	v4 =	vld [tilespmem:s28+$0x30]  }
0x47: {  	v7 =	vld [tilespmem:s28+$0x10]  }
0x48: {  	v5 =	vld [tilespmem:s28+$0xFFFFFFC0]  }
0x49: {  	v1 =	vld.idx.msk [tilespmem:v0+s18+$0x0], $0xffff  }
0x4a: {  	v9 =	vld [tilespmem:s28+$0xFFFFFFE0]  }
0x4b: {  	v2 =	vld [tilespmem:s28+$0x20]  }
0x4c: {  	v3 =	vld [tilespmem:s28+$0xFFFFFFD0]  }
0x4d: {  	v0 =	vld [tilespmem:s28+$0xFFFFFFF0]  }
0x4e: {  	v8 =	vmul.f32 v4, v1;
	v4 =	vld [tilespmem:s28+$0x0]  }
0x4f: {  	v6 =	vmul.f32 v5, v1  }
0x50: {  	s29 =	simm.s32 $0x1;
	s30 =	simm.s32 $0x2840;
	v5 =	vmul.f32 v9, v1;
	v7 =	vmul.f32 v7, v1  }
.LBB2_8:
0x51: {  	p1 =	sne.s32 s29, $0x4F  }
0x52: {  	v3 =	vmul.f32 v3, v1;
	v2 =	vmul.f32 v2, v1;
	[tilespmem:s28+$0x30] =	vst v8;
	s30 =	sadd.s32 $0x80, s30;
	s31 =	smov.u32 s29;
	s29 =	sadd.s32 $0x1, s29  }
0x53: {  	[tilespmem:s28+$0xFFFFFFC0] =	vst v6;
	v6 =	vmul.f32 v0, v1;
	v1 =	vmul.f32 v4, v1  }
0x54: {  	s31 =	sadd.s32 s31, s24;
	[tilespmem:s28+$0x10] =	vst v7  }
0x55: {  	v4 =	vmov s31;
	[tilespmem:s28+$0xFFFFFFE0] =	vst v5  }
0x56: {  	v0 =	vld [tilespmem:s30+$0xFFFFFFF0];
	[tilespmem:s28+$0xFFFFFFF0] =	vst v6  }
0x57: {  	v5 =	vld [tilespmem:s30+$0x30];
	[tilespmem:s28+$0x0] =	vst v1  }
0x58: {  	v7 =	vld [tilespmem:s30+$0x10];
	[tilespmem:s28+$0x20] =	vst v2  }
0x59: {  	v6 =	vld [tilespmem:s30+$0xFFFFFFC0];
	[tilespmem:s28+$0xFFFFFFD0] =	vst v3;
	s28 =	smov.u32 s30  }
0x5a: {  	v1 =	vld.idx.msk [tilespmem:v4+s18+$0x0], $0xffff  }
0x5b: {  	v9 =	vld [tilespmem:s30+$0xFFFFFFE0]  }
0x5c: {  	v2 =	vld [tilespmem:s30+$0x20]  }
.Ltmp4:
0x5d: {  	v3 =	vld [tilespmem:s30+$0xFFFFFFD0];
	(pc) =	sbr.rel @p1 .LBB2_8-.Ltmp4, $3  }
0x5e: {  	v4 =	vld [tilespmem:s30+$0x0];
	_ =	sdelay $0x1  }
0x5f: {  	v6 =	vmul.f32 v6, v1;
	v8 =	vmul.f32 v5, v1  }
0x60: {  	v7 =	vmul.f32 v7, v1;
	v5 =	vmul.f32 v9, v1  }
0x61: {  	[tilespmem:s28+$0x30] =	vst v8  }
0x62: {  	[tilespmem:s28+$0xFFFFFFC0] =	vst v6  }
0x63: {  	v0 =	vmul.f32 v0, v1;
	[tilespmem:s28+$0x10] =	vst v7  }
0x64: {  	v2 =	vmul.f32 v2, v1;
	[tilespmem:s28+$0xFFFFFFE0] =	vst v5  }
0x65: {  	v63 =	vmul.f32 v3, v1;
	[tilespmem:s28+$0xFFFFFFF0] =	vst v0  }
0x66: {  	s25 =	sadd.s32 $0x1, s25;
	v4 =	vmul.f32 v4, v1;
	[tilespmem:s28+$0x20] =	vst v2  }
0x67: {  	p1 =	sne.s32 s25, $0x19;
	[tilespmem:s28+$0xFFFFFFD0] =	vst v63  }
.Ltmp5:
0x68: {  	s26 =	sadd.s32 $0x1000, s26;
	[tilespmem:s28+$0x0] =	vst v4;
	(pc) =	sbr.rel @p1 .LBB2_7-.Ltmp5, $4  }
0x69: {  	[spmem:s3] =	stream.indirect.scatter.add.f32 [tilespmem:s20], [sflag:$0x1], $0x80, s26, s19, $0xb8;
	[tilespmem:$0x19C80] =	vst v63  }
0x6a: {  	_ =	swait.ge [sflag:s14], $0x2800  }
0x6b: {  	[sflag:s14] =	ssyncset.done $0x0  }
0x6c: {  	s24 =	sadd.s32 $0x50, s24;
	[sflag:s14] =	ssyncadd.s32 $0xFFFFD800  }
0x6d: {  	s23 =	sadd.s32 $0x1, s23  }
0x6e: {  	p1 =	sne.s32 s23, $0x5  }
.Ltmp6:
0x6f: {  	_ = 	snop;
	(pc) =	sbr.rel @p1 .LBB2_6-.Ltmp6, $1  }
0x70: {  	_ =	sdelay $0x3  }
.Ltmp7:
0x71: {  	(pc) =	sbr.rel @p0 .LBB2_15-.Ltmp7, $2  }
0x72: {  	_ =	sdelay $0x1  }
0x73: {  	[bflag:$0x0] =	sbarrier.arrive $0xFFFF;
	_ =	sdelay $0x1  }
0x74: {  	[tilespmem:s13], [sflag:$0x1] =	stream.linear.gather [spmem:s11], $0x1400, $0x38;
	[tilespmem:$0x19C80] =	vst v63  }
0x75: {  	_ =	swait.ge [sflag:s14], $0x1400  }
0x76: {  	[sflag:s14] =	ssyncset.done $0x0  }
0x77: {  	s22 =	sadd.s32 $0x0, s12;
	[sflag:s14] =	ssyncadd.s32 $0xFFFFEC00  }
0x78: {  	[hbm4b:s22+s4] =	stream.linear.scatter [tilespmem:s13], [sflag:$0x1], $0x1400, $0x38;
	[tilespmem:$0x19C80] =	vst v63  }
0x79: {  	_ =	swait.ge [sflag:s14], $0x1400  }
0x7a: {  	s23 =	smov.u32 s11;
	s22 =	simm.s32 $0x280;
	[sflag:s14] =	ssyncset.done $0x0  }
.LBB2_13:
0x7b: {  	p1 =	sne.s32 s22, $0x3C00;
	[sflag:s14] =	ssyncadd.s32 $0xFFFFEC00;
	s23 =	sadd.s32 $0x1400, s23  }
0x7c: {  	[tilespmem:s13], [sflag:$0x1] =	stream.linear.gather [spmem:s23], $0x1400, $0x38;
	[tilespmem:$0x19C80] =	vst v63  }
0x7d: {  	s24 =	smov.u32 s22;
	s22 =	sadd.s32 $0x280, s22;
	_ =	swait.ge [sflag:s14], $0x1400  }
.Ltmp8:
0x7e: {  	[sflag:s14] =	ssyncset.done $0x0;
	(pc) =	sbr.rel @p1 .LBB2_13-.Ltmp8, $4  }
0x7f: {  	s24 =	sadd.s32 s24, s12;
	[sflag:s14] =	ssyncadd.s32 $0xFFFFEC00  }
0x80: {  	[hbm4b:s24+s4] =	stream.linear.scatter [tilespmem:s13], [sflag:$0x1], $0x1400, $0x38;
	[tilespmem:$0x19C80] =	vst v63  }
0x81: {  	_ =	swait.ge [sflag:s14], $0x1400  }
0x82: {  	[sflag:s14] =	ssyncset.done $0x0  }
.Ltmp9:
0x83: {  	(pc) =	sbr.rel .LBB2_15-.Ltmp9, $2  }
0x84: {  	_ =	sdelay $0x2  }
0x85: {  	[sflag:s14] =	ssyncadd.s32 $0xFFFFEC00  }
.LBB2_16:
0x86: {  	_ =	sfence.sel $0x180000  }
0x87: {  	[bflag:$0x0] =	sbarrier.arrive $0xFFFF  }
0x88: {  	p0 =	sne.s32 s2, $0x0;
	_ =	strace $0x9000004D  }
0x89: {  	s0 =	sadd.s32 @!p0 $0x100000, s1;
	[bflag:$0x2] =	sbarrier.arrive $0xFFFF  }
0x8a: {  	[sflag:s0] =	ssyncadd.tile.s32 @!p0 $0x1;
	_ =	shalt  }
.Lfunc_end2:
_tile_overlayer_lowered:
.L_overlay_start_2:
0x8b: {  	(tag) =	ssettag $0x2  }
0x8c: {  	s0 =	rddreg [dreg:$0x0];
	s2 =	stileid.u32  }
0x8d: {  	s1 =	rddreg [dreg:$0x1];
	p0 =	sne.s32 s2, $0x0  }
0x8e: {  	s3 =	rddreg [dreg:$0x2];
	[bflag:$0x3] =	sbarrier.arrive $0xFFFF;
	s2 =	simm.s32 @!p0 $0x1C01  }
0x8f: {  	[timem:s3], [sflag:s2] =	dma.local @!p0 [hbm:s0], s1  }
0x90: {  	s0 =	simm.s32 @!p0 $0x1  }
0x91: {  	_ =	swait.ge @!p0 [sflag:s0], s1  }
0x92: {  	s1 =	ssub.s32 @!p0 $0x0, s1;
	[sflag:s0] =	ssyncset.done @!p0 $0x0  }
0x93: {  	[sflag:s0] =	ssyncadd.s32 @!p0 s1  }
0x94: {  	[bflag:$0x3] =	sbarrier.arrive $0xFFFF  }
0x95: {  	_ =	shalt  }

// kernel: kernel.8.cloned.1.call-start
scs
__scs_entry_jumppad:
0x0: {  	(pc) =	sbr.rel $0x88, $3  }
0x1: {  	(tag) =	ssettag $0x0;
	lr =	simm.s32 $0x1  }
0x2: {  	[smem:$0x3F9A] =	sst lr;
	_ =	strace $0xD0000000  }
0x3: {  	_ = 	snop  }
0x4: {  	_ = 	snop  }
0x5: {  	_ = 	snop  }
0x6: {  	_ = 	snop  }
0x7: {  	_ = 	snop  }
__scs_overlays_trampoline_lowered:
0x8: {  	[smem:$0x3FA9] =	sst s0  }
0x9: {  	[smem:$0x3FAA] =	sst s1  }
0xa: {  	[smem:$0x3FAB] =	sst s2  }
0xb: {  	[smem:$0x3FAC] =	sst s3  }
0xc: {  	[smem:$0x3FAD] =	sst s4  }
0xd: {  	[smem:$0x3FAE] =	sst s5  }
0xe: {  	[smem:$0x3FAF] =	sst s6  }
0xf: {  	[smem:$0x3FB0] =	sst s7  }
0x10: {  	[smem:$0x3FB1] =	sst s8  }
0x11: {  	[smem:$0x3FB2] =	sst s9;
	s0 =	simm.s32 @!p0 $0x0  }
0x12: {  	s1 =	sld [smem:$0x3F98];
	s0 =	simm.s32 @p0 $0x1  }
0x13: {  	[smem:$0x3FB3] =	sst s0;
	s0 =	simm.s32 @!p1 $0x0  }
0x14: {  	s2 =	sld [smem:$0x3F97];
	s0 =	simm.s32 @p1 $0x1  }
0x15: {  	[smem:$0x3FB4] =	sst s0;
	s0 =	simm.s32 @!p2 $0x0  }
0x16: {  	s3 =	sld [smem:$0x3FDB];
	s0 =	simm.s32 @p2 $0x1  }
0x17: {  	s4 =	simm.s32 $0x1BF5;
	[smem:$0x3FB6] =	sst s0  }
0x18: {  	s0 =	sld [smem:$0x3F99];
	_ =	swait.ge [sflag:s4], $0x0  }
0x19: {  	s7 =	sld [smem:$0x3F9A]  }
0x1a: {  	s8 =	sadd.s32 $0xFFFFE003, lr  }
0x1b: {  	s9 =	sadd.s32 $0xFFFFFEF7, lr;
	s5 =	simm.s32 $0xFFFFFFFF;
	p2 =	slt.u32 s8, $0xFFFFF086  }
0x1c: {  	p1 =	slt.u32 s9, $0xF7A;
	s5 =	simm.s32 @!p2 $0x0  }
0x1d: {  	s5 =	simm.s32 @p1 $0x1;
	p0 =	seq.s32 s7, s2  }
0x1e: {  	s7 =	smul.u32 @!p0 $0xF7A, s2;
	p2 =	seq.s32 @!p0 s5, $0x0  }
0x1f: {  	s9 =	smul.u32 $0xF7A, s1;
	s8 =	simm.s32 @!p0 $0x1BF5;
	p2 =	por !p2, p0  }
0x20: {  	[sflag:s8] =	ssyncset.s32 @!p0 $0xFFFFF086;
	s6 =	sadd.s32 @!p0 s3, s7;
	s7 =	simm.s32 @!p0 $0x108  }
0x21: {  	s3 =	sadd.s32 s3, s9;
	s6 =	sadd.s32 @!p0 $0x88, s6;
	s7 =	simm.s32 @p2 $0x1082  }
0x22: {  	[simem:s7], [sflag:s8] =	dma.local @!p0 [hbm:s6], $0xF7A  }
0x23: {  	s9 =	sor.u32 $0xD0000000, s2;
	s6 =	simm.s32 $0x108;
	_ =	swait.ge @!p0 [sflag:s8], $0x0  }
0x24: {  	s3 =	sadd.s32 $0x88, s3;
	s6 =	simm.s32 @!p1 $0x1082;
	[sflag:s4] =	ssyncset.s32 $0xFFFFF086  }
0x25: {  	[simem:s6], [sflag:s4] =	dma.local [hbm:s3], $0xF7A  }
0x26: {  	[smem:$0x3F9A] =	sst s1;
	(tag) =	ssettag s2;
	_ =	strace s9  }
0x27: {  	s1 =	sld [smem:$0x3FAA]  }
0x28: {  	s2 =	sld [smem:$0x3FAB]  }
0x29: {  	s4 =	sld [smem:$0x3FAD]  }
0x2a: {  	p0 =	seq.s32 s5, $0x0;
	s5 =	sld [smem:$0x3FAE]  }
0x2b: {  	s6 =	sld [smem:$0x3FAF]  }
0x2c: {  	s7 =	sld [smem:$0x3FB0]  }
0x2d: {  	s3 =	simm.s32 $0x108;
	s8 =	sld [smem:$0x3FB1]  }
0x2e: {  	s3 =	simm.s32 @!p0 $0x1082;
	s9 =	sld [smem:$0x3FB2]  }
0x2f: {  	lr =	sadd.s32 s0, s3;
	s0 =	sld [smem:$0x3FA9]  }
0x30: {  	s3 =	sld [smem:$0x3FAC]  }
0x31: {  	[smem:$0x3FB5] =	sst s10  }
0x32: {  	s10 =	sld [smem:$0x3FB3];
	_ =	sdelay $0x3  }
0x33: {  	p0 =	seq.s32 s10, $0x1;
	s10 =	sld [smem:$0x3FB5];
	_ =	sdelay $0x3  }
0x34: {  	[smem:$0x3FB5] =	sst s10  }
0x35: {  	s10 =	sld [smem:$0x3FB4];
	_ =	sdelay $0x3  }
0x36: {  	p1 =	seq.s32 s10, $0x1;
	s10 =	sld [smem:$0x3FB5];
	_ =	sdelay $0x3  }
0x37: {  	[smem:$0x3FB5] =	sst s10  }
0x38: {  	s10 =	sld [smem:$0x3FB6]  }
0x39: {  	_ = 	snop;
	(pc) =	sbr.ind lr, $3  }
0x3a: {  	_ = 	snop  }
0x3b: {  	_ = 	snop  }
0x3c: {  	p2 =	seq.s32 s10, $0x1;
	s10 =	sld [smem:$0x3FB5]  }
0x3d: {  	_ =	shalt  }
0x3e: {  	_ =	shalt  }
0x3f: {  	_ =	shalt  }
0x40: {  	_ =	shalt  }
0x41: {  	_ =	shalt  }
0x42: {  	_ =	shalt  }
0x43: {  	_ =	shalt  }
0x44: {  	_ =	shalt  }
0x45: {  	_ =	shalt  }
0x46: {  	_ =	shalt  }
0x47: {  	_ =	shalt  }
0x48: {  	_ =	shalt  }
0x49: {  	_ =	shalt  }
0x4a: {  	_ =	shalt  }
0x4b: {  	_ =	shalt  }
0x4c: {  	_ =	shalt  }
0x4d: {  	_ =	shalt  }
0x4e: {  	_ =	shalt  }
0x4f: {  	_ =	shalt  }
0x50: {  	_ =	shalt  }
0x51: {  	_ =	shalt  }
0x52: {  	_ =	shalt  }
0x53: {  	_ =	shalt  }
0x54: {  	_ =	shalt  }
0x55: {  	_ =	shalt  }
0x56: {  	_ =	shalt  }
0x57: {  	_ =	shalt  }
0x58: {  	_ =	shalt  }
0x59: {  	_ =	shalt  }
0x5a: {  	_ =	shalt  }
0x5b: {  	_ =	shalt  }
0x5c: {  	_ =	shalt  }
0x5d: {  	_ =	shalt  }
0x5e: {  	_ =	shalt  }
0x5f: {  	_ =	shalt  }
0x60: {  	_ =	shalt  }
0x61: {  	_ =	shalt  }
0x62: {  	_ =	shalt  }
0x63: {  	_ =	shalt  }
0x64: {  	_ =	shalt  }
0x65: {  	_ =	shalt  }
0x66: {  	_ =	shalt  }
0x67: {  	_ =	shalt  }
0x68: {  	_ =	shalt  }
0x69: {  	_ =	shalt  }
0x6a: {  	_ =	shalt  }
0x6b: {  	_ =	shalt  }
0x6c: {  	_ =	shalt  }
0x6d: {  	_ =	shalt  }
0x6e: {  	_ =	shalt  }
0x6f: {  	_ =	shalt  }
0x70: {  	_ =	shalt  }
0x71: {  	_ =	shalt  }
0x72: {  	_ =	shalt  }
0x73: {  	_ =	shalt  }
0x74: {  	_ =	shalt  }
0x75: {  	_ =	shalt  }
0x76: {  	_ =	shalt  }
0x77: {  	_ =	shalt  }
0x78: {  	_ =	shalt  }
0x79: {  	_ =	shalt  }
0x7a: {  	_ =	shalt  }
0x7b: {  	_ =	shalt  }
0x7c: {  	_ =	shalt  }
0x7d: {  	_ =	shalt  }
0x7e: {  	_ =	shalt  }
0x7f: {  	_ =	shalt  }
0x80: {  	_ =	shalt  }
0x81: {  	_ =	shalt  }
0x82: {  	_ =	shalt  }
0x83: {  	_ =	shalt  }
0x84: {  	_ =	shalt  }
0x85: {  	_ =	shalt  }
0x86: {  	_ =	shalt  }
0x87: {  	_ =	shalt  }
.Lfunc_end0:
.L_simem_size_0:
called_computation_lowered:
.L_overlay_start_0:
0x88: {  	s2 =	sld [smem:$0x3FD9]  }
0x89: {  	s3 =	sld [smem:$0x3FFE];
	_ =	sdelay $0x1  }
0x8a: {  	s1 =	srdreg.scid  }
0x8b: {  	s0 =	sand.u32 $0x1, s1  }
0x8c: {  	s17 =	sshll.u32 s0, $0xA;
	s2 =	sadd.s32 s3, s2  }
0x8d: {  	s2 =	sadd.s32 s2, s17  }
0x8e: {  	[smem:$0x3FC1] =	sst s2  }
0x8f: {  	_ = 	snop  }
0x90: {  	s2 =	sld [smem:$0x3FD0];
	(tm) =	ssettm $0x1  }
0x91: {  	s18 =	sld [smem:$0x3FFB];
	_ =	sdelay $0x3  }
0x92: {  	_ =	strace s18  }
0x93: {  	s3 =	sld [smem:$0x3FFC];
	_ =	sdelay $0x3  }
0x94: {  	_ =	strace s3  }
0x95: {  	s3 =	sld [smem:$0x3FFD];
	_ =	sdelay $0x3  }
0x96: {  	_ =	strace s3  }
0x97: {  	_ =	strace $0x8FFFFFFF  }
0x98: {  	s19 =	sld [smem:$0x3FDB];
	_ =	sdelay $0x1  }
0x99: {  	s4 =	simm.s32 $_scs_section_size  }
0x9a: {  	s5 =	simm.s32 $_size__tile_overlayer_lowered;
	s6 =	simm.s32 $_tile_overlayer_lowered  }
0x9b: {  	s22 =	simm.s32 $0x1BFF;
	s21 =	sshll.u32 s6, $0x1;
	s3 =	sadd.s32 s4, s19  }
0x9c: {  	s7 =	simm.s32 $0x0;
	s20 =	sshll.u32 s5, $0x1;
	s5 =	sadd.s32 s21, s3  }
0x9d: {  	[timem:s7], [sflag:s22] =	dma.local [hbm:s5], s20  }
0x9e: {  	_ =	swait.ge [sflag:s22], s20  }
0x9f: {  	s4 =	ssub.s32 $0x0, s20;
	[sflag:s22] =	ssyncset.done $0x0  }
0xa0: {  	[sflag:s22] =	ssyncadd.s32 s4;
	_ =	sdelay $0x1  }
0xa1: {  	s23 =	simm.s32 $0x1B8B  }
0xa2: {  	_ =	swait.ge [sflag:s23], $0x1  }
0xa3: {  	[sflag:s23] =	ssyncset.done $0x0  }
0xa4: {  	s25 =	simm.s32 $0x1B8E;
	s24 =	sld [smem:$0x3FFE];
	[sflag:s23] =	ssyncadd.s32 $0xFFFFFFFF  }
0xa5: {  	s26 =	simm.s32 $execute0_lowered;
	[smem:$0x3FD2] =	sst s25  }
0xa6: {  	s5 =	sshll.u32 s26, $0x1;
	_ =	strace $0x80000046;
	[dreg:$0x1] =	wrdreg $0xFFFFFFFF  }
0xa7: {  	s28 =	simm.s32 $_size_execute0_lowered;
	s3 =	sadd.s32 s3, s5;
	[dreg:$0x0] =	wrdreg $0x0  }
0xa8: {  	s5 =	sshll.u32 s28, $0x1;
	[dreg:$0x2] =	wrdreg s3  }
0xa9: {  	[dreg:$0x3] =	wrdreg s5  }
0xaa: {  	[dreg:$0x4] =	wrdreg $0xC0  }
0xab: {  	_ =	task [dreg:s7], $0x5FFFF  }
0xac: {  	[dreg:$0x1] =	wrdreg $0xFFFFFFFF  }
0xad: {  	[dreg:$0x0] =	wrdreg $0x60  }
0xae: {  	[dreg:$0x2] =	wrdreg s2  }
0xaf: {  	[dreg:$0x3] =	wrdreg s24  }
0xb0: {  	[dreg:$0x4] =	wrdreg $0x84000  }
0xb1: {  	[dreg:$0x5] =	wrdreg $0x9  }
0xb2: {  	_ =	task.clear_ibuf [dreg:s7], $0x6FFFF;
	_ =	strace $0x90000046  }
0xb3: {  	s29 =	simm.s32 $0x9;
	_ =	strace $0x80000048  }
0xb4: {  	_ =	swait.ge [sflag:s29], $0x1  }
0xb5: {  	[sflag:s29] =	ssyncadd.s32 $0xFFFFFFFF  }
0xb6: {  	_ =	strace $0x90000048  }
0xb7: {  	_ =	sfence  }
0xb8: {  	s30 =	sld [smem:$0x0];
	_ =	sdelay $0x2  }
0xb9: {  	s31 =	sshll.u32 s1, $0xD;
	s1 =	sshrl.u32 s1, $0x2  }
0xba: {  	s3 =	sand.u32 $0x4000, s31;
	s1 =	sadd.s32 s1, s30  }
0xbb: {  	s0 =	sor.u32 s3, s0;
	s1 =	sshll.u32 s1, $0x11  }
0xbc: {  	s0 =	sor.u32 s1, s0  }
0xbd: {  	s0 =	sadd.s32 $0x8F2B, s0  }
0xbe: {  	[sflag:s0] =	ssyncadd.remote.s32 $0x1  }
0xbf: {  	_ =	sfence.sel $0xFFFF  }
0xc0: {  	[dreg:$0x0] =	wrdreg $0xFFFFFFFF;
	(pc) =	sbr.abs _section_cstart, $3  }
0xc1: {  	[dreg:$0x1] =	wrdreg $0xFFFFFFFF  }
0xc2: {  	_ =	task.clear_ibuf [dreg:s7], $0x2FFFF;
	_ =	strace $0x9FFFFFFF  }
0xc3: {  	(tm) =	ssettm $0x7FFFFFFF  }
tec
execute0_lowered:
.L_overlay_start_1:
0x0: {  	(tag) =	ssettag $0x1  }
0x1: {  	s6 =	rddreg [dreg:$0x0]  }
0x2: {  	s4 =	rddreg [dreg:$0x1]  }
0x3: {  	s2 =	rddreg [dreg:$0x2]  }
0x4: {  	s0 =	rddreg [dreg:$0x3];
	s5 =	srdreg.scid  }
0x5: {  	s1 =	stileid.u32;
	s3 =	simm.s32 $0x0;
	s13 =	simm.s32 $0x0  }
0x6: {  	s5 =	sand.u32 $0x1, s5;
	s7 =	smul.u32 $0x3E8, s1;
	s8 =	sshll.u32 s1, $0xC  }
0x7: {  	[smem:$0x7FF] =	sst s3;
	p0 =	sgt.u32 s1, $0x9;
	s9 =	sshll.u32 s5, $0xB  }
0x8: {  	s10 =	smul.u32 $0x2710, s5;
	_ =	strace $0x80000047;
	s5 =	ssub.s32 $0x2, s5  }
0x9: {  	s8 =	sor.u32 s9, s8;
	s11 =	sshrl.u32 s7, $0x3;
	s31 =	sshrl.u32 s5, $0x1  }
0xa: {  	s9 =	sadd.s32 s8, s4;
	s10 =	sadd.s32 s7, s10;
	s11 =	sadd.s32 s11, s4  }
0xb: {  	s12 =	ssub.s32 s5, s31;
	s5 =	sadd.s32 s7, s2;
	s6 =	sadd.s32 s6, s8  }
0xc: {  	s10 =	sshrl.u32 s10, $0x3;
	s7 =	sadd.s32 $0x2200, s9;
	s9 =	smax.u32 s12, $0x1  }
0xd: {  	s12 =	simm.s32 $0x50;
	s10 =	sadd.s32 s10, s4;
	s4 =	sadd.s32 $0x12200, s11  }
0xe: {  	s11 =	simm.s32 $0x4000;
	s8 =	sadd.s32 $0x12800, s10;
	s10 =	simm.s32 $0x1  }
.LBB2_1:
0xf: {  	s14 =	simm.s32 @!p0 $0x0;
	s15 =	simm.s32 @!p0 $0x8000  }
0x10: {  	[tilespmem:s15], [sflag:$0x1] =	stream.linear.gather @!p0 [hbm4b:s4+s14], $0x3E8, $0x38;
	[tilespmem:$0x8678] =	vst v63  }
0x11: {  	s14 =	simm.s32 @!p0 $0x1  }
0x12: {  	_ =	swait.ge @!p0 [sflag:s14], $0x3E8  }
0x13: {  	[sflag:s14] =	ssyncset.done @!p0 $0x0  }
0x14: {  	[sflag:s14] =	ssyncadd.s32 @!p0 $0xFFFFFC18  }
0x15: {  	[spmem:s5] =	stream.linear.scatter @!p0 [tilespmem:s15], [sflag:$0x1], $0x3E8, $0x38;
	[tilespmem:$0x8678] =	vst v63  }
0x16: {  	_ =	swait.ge @!p0 [sflag:s14], $0x3E8  }
0x17: {  	[sflag:s14] =	ssyncset.done @!p0 $0x0  }
0x18: {  	[sflag:s14] =	ssyncadd.s32 @!p0 $0xFFFFFC18  }
0x19: {  	[tilespmem:s3], [sflag:$0x1] =	stream.linear.gather [hbm4b:s6+s3], $0x3E80, $0x38;
	[tilespmem:$0x8678] =	vst v63  }
0x1a: {  	_ =	swait.ge [sflag:s10], $0x3E80  }
0x1b: {  	[sflag:s10] =	ssyncset.done $0x0  }
0x1c: {  	[sflag:s10] =	ssyncadd.s32 $0xFFFFC180  }
0x1d: {  	[tilespmem:s11], [sflag:$0x1] =	stream.linear.gather [hbm4b:s7+s3], $0x3E80, $0x38;
	[tilespmem:$0x8678] =	vst v63  }
0x1e: {  	_ =	swait.ge [sflag:s10], $0x3E80  }
0x1f: {  	[sflag:s10] =	ssyncset.done $0x0  }
0x20: {  	[sflag:s10] =	ssyncadd.s32 $0xFFFFC180  }
0x21: {  	s30 =	simm.s32 $0x0;
	s31 =	simm.s32 $0x4000;
	[bflag:$0x0] =	sbarrier.arrive $0xFFFF  }
0x22: {  	[spmem:s2] =	stream.indirect.scatter.add.f32 [tilespmem:s31], [sflag:$0x1], $0x1, s30, s12, $0xb8;
	[tilespmem:$0x8678] =	vst v63  }
0x23: {  	s14 =	simm.s32 $0x200;
	_ =	swait.ge [sflag:s10], $0x50  }
.LBB2_2:
0x24: {  	s15 =	sshra.s32 s14, $0x2;
	[sflag:s10] =	ssyncset.done $0x0;
	p1 =	sne.s32 s14, $0xF800  }
.Ltmp0:
0x25: {  	s16 =	sadd.s32 $0x4000, s15;
	[sflag:s10] =	ssyncadd.s32 $0xFFFFFFB0;
	(pc) =	sbr.rel @p1 .LBB2_2-.Ltmp0, $3  }
0x26: {  	[spmem:s2] =	stream.indirect.scatter.add.f32 [tilespmem:s16], [sflag:$0x1], $0x1, s15, s12, $0xb8;
	[tilespmem:$0x8678] =	vst v63  }
0x27: {  	s14 =	sadd.s32 $0x200, s14;
	_ =	sdelay $0x1  }
0x28: {  	_ =	swait.ge [sflag:s10], $0x50  }
0x29: {  	[sflag:s10] =	ssyncset.done $0x0  }
0x2a: {  	[sflag:s10] =	ssyncadd.s32 $0xFFFFFFB0  }
0x2b: {  	s14 =	simm.s32 @!p0 $0x8000;
	s15 =	simm.s32 @!p0 $0x1;
	[bflag:$0x0] =	sbarrier.arrive $0xFFFF  }
0x2c: {  	[tilespmem:s14], [sflag:$0x1] =	stream.linear.gather @!p0 [spmem:s5], $0x3E8, $0x38;
	[tilespmem:$0x8678] =	vst v63  }
0x2d: {  	s13 =	sadd.s32 $0x1, s13;
	_ =	swait.ge @!p0 [sflag:s15], $0x3E8  }
0x2e: {  	p1 =	sne.s32 s13, s9;
	[sflag:s15] =	ssyncset.done @!p0 $0x0  }
.Ltmp1:
0x2f: {  	s16 =	simm.s32 @!p0 $0x0;
	[sflag:s15] =	ssyncadd.s32 @!p0 $0xFFFFFC18;
	(pc) =	sbr.rel @p1 .LBB2_1-.Ltmp1, $4  }
0x30: {  	[hbm4b:s8+s16] =	stream.linear.scatter @!p0 [tilespmem:s14], [sflag:$0x1], $0x3E8, $0x38;
	[tilespmem:$0x8678] =	vst v63  }
0x31: {  	_ =	swait.ge @!p0 [sflag:s15], $0x3E8  }
0x32: {  	[sflag:s15] =	ssyncset.done @!p0 $0x0  }
0x33: {  	[sflag:s15] =	ssyncadd.s32 @!p0 $0xFFFFFC18  }
0x34: {  	_ =	sfence.sel $0x180000  }
0x35: {  	[bflag:$0x0] =	sbarrier.arrive $0xFFFF  }
0x36: {  	p0 =	sne.s32 s1, $0x0;
	_ =	strace $0x90000047  }
0x37: {  	s0 =	sadd.s32 @!p0 $0x100000, s0;
	[bflag:$0x2] =	sbarrier.arrive $0xFFFF  }
0x38: {  	[sflag:s0] =	ssyncadd.tile.s32 @!p0 $0x1;
	_ =	shalt  }
.Lfunc_end2:
_tile_overlayer_lowered:
.L_overlay_start_2:
0x39: {  	(tag) =	ssettag $0x2  }
0x3a: {  	s0 =	rddreg [dreg:$0x0];
	s2 =	stileid.u32  }
0x3b: {  	s1 =	rddreg [dreg:$0x1];
	p0 =	sne.s32 s2, $0x0  }
0x3c: {  	s3 =	rddreg [dreg:$0x2];
	[bflag:$0x3] =	sbarrier.arrive $0xFFFF;
	s2 =	simm.s32 @!p0 $0x1C01  }
0x3d: {  	[timem:s3], [sflag:s2] =	dma.local @!p0 [hbm:s0], s1  }
0x3e: {  	s0 =	simm.s32 @!p0 $0x1  }
0x3f: {  	_ =	swait.ge @!p0 [sflag:s0], s1  }
0x40: {  	s1 =	ssub.s32 @!p0 $0x0, s1;
	[sflag:s0] =	ssyncset.done @!p0 $0x0  }
0x41: {  	[sflag:s0] =	ssyncadd.s32 @!p0 s1  }
0x42: {  	[bflag:$0x3] =	sbarrier.arrive $0xFFFF  }
0x43: {  	_ =	shalt  }

</sc_bundles>
